<compile_context>
chip_gen: v7x
topology: tpu7x:2x2x1
jax: 0.10.2.dev20260603
libtpu: 0.0.44.dev20260713+nightly
codegen_flags: <defaults>
</compile_context>

<pallas_src>
import dataclasses
import functools

import jax
import jax.numpy as jnp
from jax import lax
from jax.experimental import pallas as pl
from jax.experimental.pallas import tpu as pltpu
from jax.experimental.pallas import tpu_sc as plsc

N = 10000
E = 320000
D = 128
BN_EPS = 1e-5

NC = 2
NS = 16
NW = NC * NS
EPW = E // NW
K = 80
CH = EPW // K
NP = 10240
RPT = NP // NS
DH = D // 2
KA = 128
EPT = 10240
CHA = EPT // KA
NSLOT = 4

_mesh = plsc.VectorSubcoreMesh(core_axis_name="c", subcore_axis_name="s")

_sc_params = pltpu.CompilerParams()
if "needs_layout_passes" in pltpu.CompilerParams.__dataclass_fields__:
    _sc_params = dataclasses.replace(_sc_params, needs_layout_passes=False)
_sc_agg_params = dataclasses.replace(_sc_params, use_tc_tiling_on_sc=False)


@functools.partial(
    pl.kernel,
    out_type=jax.ShapeDtypeStruct((NW, 2, N), jnp.float32),
    mesh=_mesh,
    scratch_types=[
        pltpu.VMEM((CH, K), jnp.int32),
        pltpu.VMEM((CH, K), jnp.int32),
        pltpu.VMEM((N,), jnp.float32),
        pltpu.VMEM((N,), jnp.float32),
    ],
    compiler_params=_sc_params,
)
def _sc_degrees(src_hbm, dst_hbm, out_hbm, src_v, dst_v, hs_v, hd_v):
    c = lax.axis_index("c")
    s = lax.axis_index("s")
    wid = s * NC + c
    pltpu.sync_copy(src_hbm.at[wid], src_v)
    pltpu.sync_copy(dst_hbm.at[wid], dst_v)

    zeros = jnp.zeros((16,), jnp.float32)

    @pl.loop(0, N // 16)
    def _(i):
        hs_v[pl.ds(i * 16, 16)] = zeros
        hd_v[pl.ds(i * 16, 16)] = zeros

    ones = jnp.ones((16,), jnp.float32)

    @pl.loop(0, CH)
    def _(i):
        for j in range(K // 16):
            si = src_v[i, pl.ds(j * 16, 16)]
            di = dst_v[i, pl.ds(j * 16, 16)]
            plsc.addupdate_scatter(hs_v, [si], ones)
            plsc.addupdate_scatter(hd_v, [di], ones)

    pltpu.sync_copy(hs_v, out_hbm.at[wid, 0])
    pltpu.sync_copy(hd_v, out_hbm.at[wid, 1])


@functools.partial(
    pl.kernel,
    out_type=jax.ShapeDtypeStruct((NC, 2, NP, DH), jnp.float32),
    mesh=_mesh,
    scratch_types=[
        pltpu.VMEM((CHA, KA), jnp.int32),
        pltpu.VMEM((CHA, KA), jnp.int32),
        [pltpu.VMEM((KA, DH), jnp.float32) for _ in range(NSLOT)],
        pltpu.VMEM((128, DH), jnp.float32),
        pltpu.VMEM_SHARED((NP, DH), jnp.float32),
        [pltpu.SemaphoreType.DMA for _ in range(NSLOT)],
        [pltpu.SemaphoreType.DMA for _ in range(NSLOT)],
    ],
    compiler_params=_sc_agg_params,
)
def _sc_aggregate(xw0_hbm, xw1_hbm, src_hbm, dst_hbm, out_hbm,
                  src_v, dst_v, bufs, zb, acc_sh, gsems, ssems):
    c = lax.axis_index("c")
    s = lax.axis_index("s")
    wid = s * NC + c
    pltpu.sync_copy(src_hbm.at[wid], src_v)
    pltpu.sync_copy(dst_hbm.at[wid], dst_v)

    zvec = jnp.zeros((16,), jnp.float32)

    @pl.loop(0, 128)
    def _(r):
        for q in range(DH // 16):
            zb[r, pl.ds(q * 16, 16)] = zvec

    for h, xw_hbm in ((0, xw0_hbm), (1, xw1_hbm)):
        for k in range(RPT // 128):
            pltpu.sync_copy(zb, acc_sh.at[pl.ds(s * RPT + k * 128, 128)])
        plsc.subcore_barrier()

        for t in range(NSLOT):
            pltpu.async_copy(xw_hbm.at[src_v.at[t]], bufs[t], gsems[t])

        @pl.loop(0, CHA // NSLOT - 1)
        def _(j):
            i = NSLOT * j
            sc_descs = []
            for t in range(NSLOT):
                pltpu.make_async_copy(xw_hbm.at[src_v.at[i + t]], bufs[t],
                                      gsems[t]).wait()
                sc_descs.append(pltpu.async_copy(
                    bufs[t], acc_sh.at[dst_v.at[i + t]], ssems[t], add=True))
            for t in range(NSLOT):
                sc_descs[t].wait()
                pltpu.async_copy(xw_hbm.at[src_v.at[i + NSLOT + t]], bufs[t],
                                 gsems[t])

        i0 = CHA - NSLOT
        sc_descs = []
        for t in range(NSLOT):
            pltpu.make_async_copy(xw_hbm.at[src_v.at[i0 + t]], bufs[t],
                                  gsems[t]).wait()
            sc_descs.append(pltpu.async_copy(
                bufs[t], acc_sh.at[dst_v.at[i0 + t]], ssems[t], add=True))
        for t in range(NSLOT):
            sc_descs[t].wait()

        plsc.subcore_barrier()
        pltpu.sync_copy(acc_sh.at[pl.ds(s * RPT, RPT)],
                        out_hbm.at[c, h, pl.ds(s * RPT, RPT)])
        plsc.subcore_barrier()


def _tc_project_body(x_ref, w_ref, h_ref, o0_ref, o1_ref):
    deg = jnp.sum(h_ref[:, 0, :], axis=0)
    norm = lax.rsqrt(jnp.maximum(deg, 1.0))
    xw = jnp.dot(x_ref[...], w_ref[...], preferred_element_type=jnp.float32)
    xws = xw * norm[:, None]
    o0_ref[...] = xws[:, :DH]
    o1_ref[...] = xws[:, DH:]


_tc_project = pl.pallas_call(
    _tc_project_body,
    out_shape=[jax.ShapeDtypeStruct((N, DH), jnp.float32),
               jax.ShapeDtypeStruct((N, DH), jnp.float32)],
)


def _tc_finish_body(parts_ref, h_ref, b_ref, g_ref, bt_ref, o_ref):
    agg0 = parts_ref[0, 0, :N, :] + parts_ref[1, 0, :N, :]
    agg1 = parts_ref[0, 1, :N, :] + parts_ref[1, 1, :N, :]
    agg = jnp.concatenate([agg0, agg1], axis=1)
    deg_in = jnp.sum(h_ref[:, 1, :], axis=0)
    nd = lax.rsqrt(jnp.maximum(deg_in, 1.0))
    hpre = agg * nd[:, None] + b_ref[...]
    mean = jnp.mean(hpre, axis=0, keepdims=True)
    var = jnp.mean((hpre - mean) ** 2, axis=0, keepdims=True)
    o_ref[...] = (hpre - mean) * lax.rsqrt(var + BN_EPS) * g_ref[...] + bt_ref[...]


_tc_finish = pl.pallas_call(
    _tc_finish_body,
    out_shape=jax.ShapeDtypeStruct((N, D), jnp.float32),
)


def kernel(x, edge_index, W, b, gamma, beta):
    src = edge_index[0].reshape(NW, CH, K)
    dst = edge_index[1].reshape(NW, CH, K)
    hists = _sc_degrees(src, dst)
    xw0, xw1 = _tc_project(x, W, hists)
    npad = EPT - EPW
    pad_src = jnp.broadcast_to(jnp.arange(npad, dtype=jnp.int32) % N,
                               (NW, npad))
    pad_dst = jnp.broadcast_to(N + jnp.arange(npad, dtype=jnp.int32) % (NP - N),
                               (NW, npad))
    src_p = jnp.concatenate([edge_index[0].reshape(NW, EPW), pad_src],
                            axis=1).reshape(NW, CHA, KA)
    dst_p = jnp.concatenate([edge_index[1].reshape(NW, EPW), pad_dst],
                            axis=1).reshape(NW, CHA, KA)
    parts = _sc_aggregate(xw0, xw1, src_p, dst_p)
    return _tc_finish(parts, hists, b.reshape(1, D), gamma.reshape(1, D),
                      beta.reshape(1, D))

# --- scband reference (transcript-rebuilt; emitter-appended) ---
"""Pipeline reference for scband-gcnblock-72052371357885 (READ-ONLY COPY).

The authoritative reference and input builder live on the scoring server;
editing this copy changes nothing except your own understanding.
"""

import jax, jax.numpy as jnp
import numpy as np

N = 10000
E = 320000
D_IN = 128
D_OUT = 128
BN_EPS = 1e-5


def setup_inputs(seed: int = 0) -> dict:
    key = jax.random.key(seed)
    k1, k2, k3 = jax.random.split(key, 3)
    x = jax.random.normal(k1, (N, D_IN), dtype=jnp.float32)
    edge_index = jax.random.randint(k2, (2, E), 0, N, dtype=jnp.int32)
    # GCNLayer (DGL GraphConv-style) learned params
    W = jax.random.normal(k3, (D_IN, D_OUT), dtype=jnp.float32) * (1.0 / np.sqrt(D_IN))
    b = jnp.zeros((D_OUT,), dtype=jnp.float32)
    # BatchNorm1d params (norm=True)
    gamma = jnp.ones((D_OUT,), dtype=jnp.float32)
    beta = jnp.zeros((D_OUT,), dtype=jnp.float32)
    return {"x": x, "edge_index": edge_index, "W": W, "b": b, "gamma": gamma, "beta": beta}


def reference(x, edge_index, W, b, gamma, beta):
    # Edropout / F.dropout are identity in eval mode (deterministic reference).
    src = edge_index[0]
    dst = edge_index[1]
    # symmetric 'both' normalization as in DGL GraphConv
    deg_out = jnp.zeros((N,), dtype=jnp.float32).at[src].add(1.0)
    deg_in = jnp.zeros((N,), dtype=jnp.float32).at[dst].add(1.0)
    norm_src = jax.lax.rsqrt(jnp.clip(deg_out, 1.0, None))
    norm_dst = jax.lax.rsqrt(jnp.clip(deg_in, 1.0, None))
    # project then propagate (in_feat >= out_feat ordering used by DGL)
    xw = x @ W
    msg = jnp.take(xw, src, axis=0) * norm_src[src][:, None]
    agg = jnp.zeros((N, D_OUT), dtype=jnp.float32).at[dst].add(msg)
    h = agg * norm_dst[:, None] + b
    # BatchNorm1d with batch statistics
    mean = jnp.mean(h, axis=0)
    var = jnp.var(h, axis=0)
    h = (h - mean) * jax.lax.rsqrt(var + BN_EPS) * gamma + beta
    return h

if __name__ == "__main__":
    import jax
    _d = setup_inputs()
    print(jax.jit(kernel)(*tuple(_d.values())))

</pallas_src>

<mosaic_0001>
#map = affine_map<(d0, d1) -> (0, 0)>
#map1 = affine_map<(d0, d1) -> (0, 0, 0)>
#map2 = affine_map<(d0, d1) -> (0, 0, 0, 0)>
module attributes {stable_mosaic.version = 14 : i64} {
  func.func @_sc_aggregate(%arg0: i32, %arg1: i32, %arg2: memref<10000x64xf32, #tpu.memory_space<hbm>>, %arg3: memref<10000x64xf32, #tpu.memory_space<hbm>>, %arg4: memref<32x80x128xi32, #tpu.memory_space<hbm>>, %arg5: memref<32x80x128xi32, #tpu.memory_space<hbm>>, %arg6: memref<2x2x10240x64xf32, #tpu.memory_space<hbm>>, %arg7: memref<80x128xi32, #tpu.memory_space<vmem>>, %arg8: memref<80x128xi32, #tpu.memory_space<vmem>>, %arg9: memref<128x64xf32, #tpu.memory_space<vmem>>, %arg10: memref<128x64xf32, #tpu.memory_space<vmem>>, %arg11: memref<128x64xf32, #tpu.memory_space<vmem>>, %arg12: memref<128x64xf32, #tpu.memory_space<vmem>>, %arg13: memref<128x64xf32, #tpu.memory_space<vmem>>, %arg14: memref<10240x64xf32, #tpu.memory_space<vmem_shared>>, %arg15: memref<!tpu.dma_semaphore, #tpu.memory_space<semaphore_mem>>, %arg16: memref<!tpu.dma_semaphore, #tpu.memory_space<semaphore_mem>>, %arg17: memref<!tpu.dma_semaphore, #tpu.memory_space<semaphore_mem>>, %arg18: memref<!tpu.dma_semaphore, #tpu.memory_space<semaphore_mem>>, %arg19: memref<!tpu.dma_semaphore, #tpu.memory_space<semaphore_mem>>, %arg20: memref<!tpu.dma_semaphore, #tpu.memory_space<semaphore_mem>>, %arg21: memref<!tpu.dma_semaphore, #tpu.memory_space<semaphore_mem>>, %arg22: memref<!tpu.dma_semaphore, #tpu.memory_space<semaphore_mem>>) attributes {dimension_semantics = [#tpu.dimension_semantics<core_parallel>, #tpu.dimension_semantics<subcore_parallel>], iteration_bounds = array<i64: 2, 16>, scalar_prefetch = 0 : i64, scratch_operands = 16 : i64, tpu.core_type = #tpu.core_type<sc_vector_subcore>, window_params = [{transform_indices = #map}, {transform_indices = #map}, {transform_indices = #map1}, {transform_indices = #map1}, {transform_indices = #map2}]} {
    %mul3A = arith.constant 2 : i32
    %mul3A_0 = arith.muli %arg1, %mul3A : i32
    %add3A = arith.addi %mul3A_0, %arg0 : i32
    "tpu.region"() ({
      %run_scoped3A_292 = tpu.sem_alloc : memref<!tpu.dma_semaphore, #tpu.memory_space<semaphore_mem>>
      %dma_start3A_293 = arith.constant 0 : i32
      %dma_start3A_294 = arith.constant 0 : i32
      %dma_start3A_295 = tpu.memref_slice %arg4[%add3A, %dma_start3A_293, %dma_start3A_294] : memref<32x80x128xi32, #tpu.memory_space<hbm>> -> memref<1x80x128xi32, #tpu.memory_space<hbm>>
      %dma_start3A_296 = tpu.memref_squeeze %dma_start3A_295 : memref<1x80x128xi32, #tpu.memory_space<hbm>> -> memref<80x128xi32, #tpu.memory_space<hbm>>
      %dma_start3A_297 = arith.constant 0 : i32
      %dma_start3A_298 = arith.constant 0 : i32
      %dma_start3A_299 = tpu.memref_slice %arg4[%add3A, %dma_start3A_297, %dma_start3A_298] : memref<32x80x128xi32, #tpu.memory_space<hbm>> -> memref<1x80x128xi32, #tpu.memory_space<hbm>>
      %dma_start3A_300 = tpu.memref_squeeze %dma_start3A_299 : memref<1x80x128xi32, #tpu.memory_space<hbm>> -> memref<80x128xi32, #tpu.memory_space<hbm>>
      tpu.enqueue_dma source(%dma_start3A_300 : memref<80x128xi32, #tpu.memory_space<hbm>>) target(%arg7 : memref<80x128xi32, #tpu.memory_space<vmem>>) target_semaphore(%run_scoped3A_292 : memref<!tpu.dma_semaphore, #tpu.memory_space<semaphore_mem>>)
      %dma_wait3A_301 = arith.constant 0 : i32
      %dma_wait3A_302 = arith.constant 0 : i32
      %dma_wait3A_303 = tpu.memref_slice %arg4[%add3A, %dma_wait3A_301, %dma_wait3A_302] : memref<32x80x128xi32, #tpu.memory_space<hbm>> -> memref<1x80x128xi32, #tpu.memory_space<hbm>>
      %dma_wait3A_304 = tpu.memref_squeeze %dma_wait3A_303 : memref<1x80x128xi32, #tpu.memory_space<hbm>> -> memref<80x128xi32, #tpu.memory_space<hbm>>
      %dma_wait3A_305 = arith.constant 0 : i32
      %dma_wait3A_306 = arith.constant 0 : i32
      %dma_wait3A_307 = tpu.memref_slice %arg4[%add3A, %dma_wait3A_305, %dma_wait3A_306] : memref<32x80x128xi32, #tpu.memory_space<hbm>> -> memref<1x80x128xi32, #tpu.memory_space<hbm>>
      %dma_wait3A_308 = tpu.memref_squeeze %dma_wait3A_307 : memref<1x80x128xi32, #tpu.memory_space<hbm>> -> memref<80x128xi32, #tpu.memory_space<hbm>>
      tpu.wait_dma2 semaphore(%run_scoped3A_292 : memref<!tpu.dma_semaphore, #tpu.memory_space<semaphore_mem>>) src(%dma_wait3A_308 : memref<80x128xi32, #tpu.memory_space<hbm>>) dst(%arg7 : memref<80x128xi32, #tpu.memory_space<vmem>>)
      tpu.yield
    }) : () -> ()
    "tpu.region"() ({
      %run_scoped3A_292 = tpu.sem_alloc : memref<!tpu.dma_semaphore, #tpu.memory_space<semaphore_mem>>
      %dma_start3A_293 = arith.constant 0 : i32
      %dma_start3A_294 = arith.constant 0 : i32
      %dma_start3A_295 = tpu.memref_slice %arg5[%add3A, %dma_start3A_293, %dma_start3A_294] : memref<32x80x128xi32, #tpu.memory_space<hbm>> -> memref<1x80x128xi32, #tpu.memory_space<hbm>>
      %dma_start3A_296 = tpu.memref_squeeze %dma_start3A_295 : memref<1x80x128xi32, #tpu.memory_space<hbm>> -> memref<80x128xi32, #tpu.memory_space<hbm>>
      %dma_start3A_297 = arith.constant 0 : i32
      %dma_start3A_298 = arith.constant 0 : i32
      %dma_start3A_299 = tpu.memref_slice %arg5[%add3A, %dma_start3A_297, %dma_start3A_298] : memref<32x80x128xi32, #tpu.memory_space<hbm>> -> memref<1x80x128xi32, #tpu.memory_space<hbm>>
      %dma_start3A_300 = tpu.memref_squeeze %dma_start3A_299 : memref<1x80x128xi32, #tpu.memory_space<hbm>> -> memref<80x128xi32, #tpu.memory_space<hbm>>
      tpu.enqueue_dma source(%dma_start3A_300 : memref<80x128xi32, #tpu.memory_space<hbm>>) target(%arg8 : memref<80x128xi32, #tpu.memory_space<vmem>>) target_semaphore(%run_scoped3A_292 : memref<!tpu.dma_semaphore, #tpu.memory_space<semaphore_mem>>)
      %dma_wait3A_301 = arith.constant 0 : i32
      %dma_wait3A_302 = arith.constant 0 : i32
      %dma_wait3A_303 = tpu.memref_slice %arg5[%add3A, %dma_wait3A_301, %dma_wait3A_302] : memref<32x80x128xi32, #tpu.memory_space<hbm>> -> memref<1x80x128xi32, #tpu.memory_space<hbm>>
      %dma_wait3A_304 = tpu.memref_squeeze %dma_wait3A_303 : memref<1x80x128xi32, #tpu.memory_space<hbm>> -> memref<80x128xi32, #tpu.memory_space<hbm>>
      %dma_wait3A_305 = arith.constant 0 : i32
      %dma_wait3A_306 = arith.constant 0 : i32
      %dma_wait3A_307 = tpu.memref_slice %arg5[%add3A, %dma_wait3A_305, %dma_wait3A_306] : memref<32x80x128xi32, #tpu.memory_space<hbm>> -> memref<1x80x128xi32, #tpu.memory_space<hbm>>
      %dma_wait3A_308 = tpu.memref_squeeze %dma_wait3A_307 : memref<1x80x128xi32, #tpu.memory_space<hbm>> -> memref<80x128xi32, #tpu.memory_space<hbm>>
      tpu.wait_dma2 semaphore(%run_scoped3A_292 : memref<!tpu.dma_semaphore, #tpu.memory_space<semaphore_mem>>) src(%dma_wait3A_308 : memref<80x128xi32, #tpu.memory_space<hbm>>) dst(%arg8 : memref<80x128xi32, #tpu.memory_space<vmem>>)
      tpu.yield
    }) : () -> ()
    %broadcast_in_dim3A = arith.constant 0.000000e+00 : f32
    %broadcast_in_dim3A_1 = vector.broadcast %broadcast_in_dim3A : f32 to vector<16xf32>
    %scan3A = arith.constant 0 : i32
    %scan3A_2 = arith.constant 128 : i32
    %scan3A_3 = arith.addi %scan3A, %scan3A_2 : i32
    %scan3A_4 = arith.constant 1 : i32
    scf.for %scan3A_292 = %scan3A to %scan3A_3 step %scan3A_4  : i32 {
      %mul3A_293 = arith.constant 1 : i32
      %mul3A_294 = arith.muli %scan3A_292, %mul3A_293 : i32
      %add3A_295 = arith.constant 0 : i32
      %add3A_296 = arith.addi %add3A_295, %mul3A_294 : i32
      %swap3A = arith.index_cast %add3A_296 : i32 to index
      %swap3A_297 = arith.constant 0 : index
      %swap3A_298 = tpu.vector_load %arg13[%swap3A, %swap3A_297] {strides = array<i32>} : memref<128x64xf32, #tpu.memory_space<vmem>>, vector<16xf32>,
      tpu.vector_store %arg13[%swap3A, %swap3A_297], %broadcast_in_dim3A_1 {strides = array<i32>} : memref<128x64xf32, #tpu.memory_space<vmem>>, vector<16xf32>,
      %swap3A_299 = arith.index_cast %add3A_296 : i32 to index
      %swap3A_300 = arith.constant 16 : index
      %swap3A_301 = tpu.vector_load %arg13[%swap3A_299, %swap3A_300] {strides = array<i32>} : memref<128x64xf32, #tpu.memory_space<vmem>>, vector<16xf32>,
      tpu.vector_store %arg13[%swap3A_299, %swap3A_300], %broadcast_in_dim3A_1 {strides = array<i32>} : memref<128x64xf32, #tpu.memory_space<vmem>>, vector<16xf32>,
      %swap3A_302 = arith.index_cast %add3A_296 : i32 to index
      %swap3A_303 = arith.constant 32 : index
      %swap3A_304 = tpu.vector_load %arg13[%swap3A_302, %swap3A_303] {strides = array<i32>} : memref<128x64xf32, #tpu.memory_space<vmem>>, vector<16xf32>,
      tpu.vector_store %arg13[%swap3A_302, %swap3A_303], %broadcast_in_dim3A_1 {strides = array<i32>} : memref<128x64xf32, #tpu.memory_space<vmem>>, vector<16xf32>,
      %swap3A_305 = arith.index_cast %add3A_296 : i32 to index
      %swap3A_306 = arith.constant 48 : index
      %swap3A_307 = tpu.vector_load %arg13[%swap3A_305, %swap3A_306] {strides = array<i32>} : memref<128x64xf32, #tpu.memory_space<vmem>>, vector<16xf32>,
      tpu.vector_store %arg13[%swap3A_305, %swap3A_306], %broadcast_in_dim3A_1 {strides = array<i32>} : memref<128x64xf32, #tpu.memory_space<vmem>>, vector<16xf32>,
    }
    %scan3A_5 = arith.constant 128 : i32
    %mul3A_6 = arith.constant 640 : i32
    %mul3A_7 = arith.muli %arg1, %mul3A_6 : i32
    %add3A_8 = arith.constant 0 : i32
    %add3A_9 = arith.addi %mul3A_7, %add3A_8 : i32
    "tpu.region"() ({
      %run_scoped3A_292 = tpu.sem_alloc : memref<!tpu.dma_semaphore, #tpu.memory_space<semaphore_mem>>
      %dma_start3A_293 = arith.constant 0 : i32
      %dma_start3A_294 = tpu.memref_slice %arg14[%add3A_9, %dma_start3A_293] : memref<10240x64xf32, #tpu.memory_space<vmem_shared>> -> memref<128x64xf32, #tpu.memory_space<vmem_shared>>
      %dma_start3A_295 = arith.constant 0 : i32
      %dma_start3A_296 = tpu.memref_slice %arg14[%add3A_9, %dma_start3A_295] : memref<10240x64xf32, #tpu.memory_space<vmem_shared>> -> memref<128x64xf32, #tpu.memory_space<vmem_shared>>
      tpu.enqueue_dma source(%arg13 : memref<128x64xf32, #tpu.memory_space<vmem>>) target(%dma_start3A_296 : memref<128x64xf32, #tpu.memory_space<vmem_shared>>) target_semaphore(%run_scoped3A_292 : memref<!tpu.dma_semaphore, #tpu.memory_space<semaphore_mem>>)
      %dma_wait3A_297 = arith.constant 0 : i32
      %dma_wait3A_298 = tpu.memref_slice %arg14[%add3A_9, %dma_wait3A_297] : memref<10240x64xf32, #tpu.memory_space<vmem_shared>> -> memref<128x64xf32, #tpu.memory_space<vmem_shared>>
      %dma_wait3A_299 = arith.constant 0 : i32
      %dma_wait3A_300 = tpu.memref_slice %arg14[%add3A_9, %dma_wait3A_299] : memref<10240x64xf32, #tpu.memory_space<vmem_shared>> -> memref<128x64xf32, #tpu.memory_space<vmem_shared>>
      tpu.wait_dma2 semaphore(%run_scoped3A_292 : memref<!tpu.dma_semaphore, #tpu.memory_space<semaphore_mem>>) src(%arg13 : memref<128x64xf32, #tpu.memory_space<vmem>>) dst(%dma_wait3A_300 : memref<128x64xf32, #tpu.memory_space<vmem_shared>>)
      tpu.yield
    }) : () -> ()
    %mul3A_10 = arith.constant 640 : i32
    %mul3A_11 = arith.muli %arg1, %mul3A_10 : i32
    %add3A_12 = arith.constant 128 : i32
    %add3A_13 = arith.addi %mul3A_11, %add3A_12 : i32
    "tpu.region"() ({
      %run_scoped3A_292 = tpu.sem_alloc : memref<!tpu.dma_semaphore, #tpu.memory_space<semaphore_mem>>
      %dma_start3A_293 = arith.constant 0 : i32
      %dma_start3A_294 = tpu.memref_slice %arg14[%add3A_13, %dma_start3A_293] : memref<10240x64xf32, #tpu.memory_space<vmem_shared>> -> memref<128x64xf32, #tpu.memory_space<vmem_shared>>
      %dma_start3A_295 = arith.constant 0 : i32
      %dma_start3A_296 = tpu.memref_slice %arg14[%add3A_13, %dma_start3A_295] : memref<10240x64xf32, #tpu.memory_space<vmem_shared>> -> memref<128x64xf32, #tpu.memory_space<vmem_shared>>
      tpu.enqueue_dma source(%arg13 : memref<128x64xf32, #tpu.memory_space<vmem>>) target(%dma_start3A_296 : memref<128x64xf32, #tpu.memory_space<vmem_shared>>) target_semaphore(%run_scoped3A_292 : memref<!tpu.dma_semaphore, #tpu.memory_space<semaphore_mem>>)
      %dma_wait3A_297 = arith.constant 0 : i32
      %dma_wait3A_298 = tpu.memref_slice %arg14[%add3A_13, %dma_wait3A_297] : memref<10240x64xf32, #tpu.memory_space<vmem_shared>> -> memref<128x64xf32, #tpu.memory_space<vmem_shared>>
      %dma_wait3A_299 = arith.constant 0 : i32
      %dma_wait3A_300 = tpu.memref_slice %arg14[%add3A_13, %dma_wait3A_299] : memref<10240x64xf32, #tpu.memory_space<vmem_shared>> -> memref<128x64xf32, #tpu.memory_space<vmem_shared>>
      tpu.wait_dma2 semaphore(%run_scoped3A_292 : memref<!tpu.dma_semaphore, #tpu.memory_space<semaphore_mem>>) src(%arg13 : memref<128x64xf32, #tpu.memory_space<vmem>>) dst(%dma_wait3A_300 : memref<128x64xf32, #tpu.memory_space<vmem_shared>>)
      tpu.yield
    }) : () -> ()
    %mul3A_14 = arith.constant 640 : i32
    %mul3A_15 = arith.muli %arg1, %mul3A_14 : i32
    %add3A_16 = arith.constant 256 : i32
    %add3A_17 = arith.addi %mul3A_15, %add3A_16 : i32
    "tpu.region"() ({
      %run_scoped3A_292 = tpu.sem_alloc : memref<!tpu.dma_semaphore, #tpu.memory_space<semaphore_mem>>
      %dma_start3A_293 = arith.constant 0 : i32
      %dma_start3A_294 = tpu.memref_slice %arg14[%add3A_17, %dma_start3A_293] : memref<10240x64xf32, #tpu.memory_space<vmem_shared>> -> memref<128x64xf32, #tpu.memory_space<vmem_shared>>
      %dma_start3A_295 = arith.constant 0 : i32
      %dma_start3A_296 = tpu.memref_slice %arg14[%add3A_17, %dma_start3A_295] : memref<10240x64xf32, #tpu.memory_space<vmem_shared>> -> memref<128x64xf32, #tpu.memory_space<vmem_shared>>
      tpu.enqueue_dma source(%arg13 : memref<128x64xf32, #tpu.memory_space<vmem>>) target(%dma_start3A_296 : memref<128x64xf32, #tpu.memory_space<vmem_shared>>) target_semaphore(%run_scoped3A_292 : memref<!tpu.dma_semaphore, #tpu.memory_space<semaphore_mem>>)
      %dma_wait3A_297 = arith.constant 0 : i32
      %dma_wait3A_298 = tpu.memref_slice %arg14[%add3A_17, %dma_wait3A_297] : memref<10240x64xf32, #tpu.memory_space<vmem_shared>> -> memref<128x64xf32, #tpu.memory_space<vmem_shared>>
      %dma_wait3A_299 = arith.constant 0 : i32
      %dma_wait3A_300 = tpu.memref_slice %arg14[%add3A_17, %dma_wait3A_299] : memref<10240x64xf32, #tpu.memory_space<vmem_shared>> -> memref<128x64xf32, #tpu.memory_space<vmem_shared>>
      tpu.wait_dma2 semaphore(%run_scoped3A_292 : memref<!tpu.dma_semaphore, #tpu.memory_space<semaphore_mem>>) src(%arg13 : memref<128x64xf32, #tpu.memory_space<vmem>>) dst(%dma_wait3A_300 : memref<128x64xf32, #tpu.memory_space<vmem_shared>>)
      tpu.yield
    }) : () -> ()
    %mul3A_18 = arith.constant 640 : i32
    %mul3A_19 = arith.muli %arg1, %mul3A_18 : i32
    %add3A_20 = arith.constant 384 : i32
    %add3A_21 = arith.addi %mul3A_19, %add3A_20 : i32
    "tpu.region"() ({
      %run_scoped3A_292 = tpu.sem_alloc : memref<!tpu.dma_semaphore, #tpu.memory_space<semaphore_mem>>
      %dma_start3A_293 = arith.constant 0 : i32
      %dma_start3A_294 = tpu.memref_slice %arg14[%add3A_21, %dma_start3A_293] : memref<10240x64xf32, #tpu.memory_space<vmem_shared>> -> memref<128x64xf32, #tpu.memory_space<vmem_shared>>
      %dma_start3A_295 = arith.constant 0 : i32
      %dma_start3A_296 = tpu.memref_slice %arg14[%add3A_21, %dma_start3A_295] : memref<10240x64xf32, #tpu.memory_space<vmem_shared>> -> memref<128x64xf32, #tpu.memory_space<vmem_shared>>
      tpu.enqueue_dma source(%arg13 : memref<128x64xf32, #tpu.memory_space<vmem>>) target(%dma_start3A_296 : memref<128x64xf32, #tpu.memory_space<vmem_shared>>) target_semaphore(%run_scoped3A_292 : memref<!tpu.dma_semaphore, #tpu.memory_space<semaphore_mem>>)
      %dma_wait3A_297 = arith.constant 0 : i32
      %dma_wait3A_298 = tpu.memref_slice %arg14[%add3A_21, %dma_wait3A_297] : memref<10240x64xf32, #tpu.memory_space<vmem_shared>> -> memref<128x64xf32, #tpu.memory_space<vmem_shared>>
      %dma_wait3A_299 = arith.constant 0 : i32
      %dma_wait3A_300 = tpu.memref_slice %arg14[%add3A_21, %dma_wait3A_299] : memref<10240x64xf32, #tpu.memory_space<vmem_shared>> -> memref<128x64xf32, #tpu.memory_space<vmem_shared>>
      tpu.wait_dma2 semaphore(%run_scoped3A_292 : memref<!tpu.dma_semaphore, #tpu.memory_space<semaphore_mem>>) src(%arg13 : memref<128x64xf32, #tpu.memory_space<vmem>>) dst(%dma_wait3A_300 : memref<128x64xf32, #tpu.memory_space<vmem_shared>>)
      tpu.yield
    }) : () -> ()
    %mul3A_22 = arith.constant 640 : i32
    %mul3A_23 = arith.muli %arg1, %mul3A_22 : i32
    %add3A_24 = arith.constant 512 : i32
    %add3A_25 = arith.addi %mul3A_23, %add3A_24 : i32
    "tpu.region"() ({
      %run_scoped3A_292 = tpu.sem_alloc : memref<!tpu.dma_semaphore, #tpu.memory_space<semaphore_mem>>
      %dma_start3A_293 = arith.constant 0 : i32
      %dma_start3A_294 = tpu.memref_slice %arg14[%add3A_25, %dma_start3A_293] : memref<10240x64xf32, #tpu.memory_space<vmem_shared>> -> memref<128x64xf32, #tpu.memory_space<vmem_shared>>
      %dma_start3A_295 = arith.constant 0 : i32
      %dma_start3A_296 = tpu.memref_slice %arg14[%add3A_25, %dma_start3A_295] : memref<10240x64xf32, #tpu.memory_space<vmem_shared>> -> memref<128x64xf32, #tpu.memory_space<vmem_shared>>
      tpu.enqueue_dma source(%arg13 : memref<128x64xf32, #tpu.memory_space<vmem>>) target(%dma_start3A_296 : memref<128x64xf32, #tpu.memory_space<vmem_shared>>) target_semaphore(%run_scoped3A_292 : memref<!tpu.dma_semaphore, #tpu.memory_space<semaphore_mem>>)
      %dma_wait3A_297 = arith.constant 0 : i32
      %dma_wait3A_298 = tpu.memref_slice %arg14[%add3A_25, %dma_wait3A_297] : memref<10240x64xf32, #tpu.memory_space<vmem_shared>> -> memref<128x64xf32, #tpu.memory_space<vmem_shared>>
      %dma_wait3A_299 = arith.constant 0 : i32
      %dma_wait3A_300 = tpu.memref_slice %arg14[%add3A_25, %dma_wait3A_299] : memref<10240x64xf32, #tpu.memory_space<vmem_shared>> -> memref<128x64xf32, #tpu.memory_space<vmem_shared>>
      tpu.wait_dma2 semaphore(%run_scoped3A_292 : memref<!tpu.dma_semaphore, #tpu.memory_space<semaphore_mem>>) src(%arg13 : memref<128x64xf32, #tpu.memory_space<vmem>>) dst(%dma_wait3A_300 : memref<128x64xf32, #tpu.memory_space<vmem_shared>>)
      tpu.yield
    }) : () -> ()
    %barrier3A = arith.constant 0 : index
    tpu.barrier barrier_id(%barrier3A)
    %dma_start3A = arith.constant 0 : i32
    %dma_start3A_26 = arith.constant 0 : i32
    %dma_start3A_27 = tpu.memref_slice %arg7[%dma_start3A, %dma_start3A_26] : memref<80x128xi32, #tpu.memory_space<vmem>> -> memref<1x128xi32, #tpu.memory_space<vmem>>
    %dma_start3A_28 = tpu.memref_squeeze %dma_start3A_27 : memref<1x128xi32, #tpu.memory_space<vmem>> -> memref<128xi32, #tpu.memory_space<vmem>>
    %dma_start3A_29 = arith.constant 0 : i32
    %dma_start3A_30 = arith.constant 0 : i32
    %dma_start3A_31 = tpu.memref_slice %arg2[%dma_start3A_29, %dma_start3A_30] : memref<10000x64xf32, #tpu.memory_space<hbm>> -> memref<10000x64xf32, #tpu.memory_space<hbm>>
    tpu.enqueue_indirect_dma source(%dma_start3A_31 : memref<10000x64xf32, #tpu.memory_space<hbm>>) target(%arg9 : memref<128x64xf32, #tpu.memory_space<vmem>>) offsets(%dma_start3A_28 : memref<128xi32, #tpu.memory_space<vmem>>) semaphore(%arg15 : memref<!tpu.dma_semaphore, #tpu.memory_space<semaphore_mem>>)
    %dma_start3A_32 = arith.constant 1 : i32
    %dma_start3A_33 = arith.constant 0 : i32
    %dma_start3A_34 = tpu.memref_slice %arg7[%dma_start3A_32, %dma_start3A_33] : memref<80x128xi32, #tpu.memory_space<vmem>> -> memref<1x128xi32, #tpu.memory_space<vmem>>
    %dma_start3A_35 = tpu.memref_squeeze %dma_start3A_34 : memref<1x128xi32, #tpu.memory_space<vmem>> -> memref<128xi32, #tpu.memory_space<vmem>>
    %dma_start3A_36 = arith.constant 0 : i32
    %dma_start3A_37 = arith.constant 0 : i32
    %dma_start3A_38 = tpu.memref_slice %arg2[%dma_start3A_36, %dma_start3A_37] : memref<10000x64xf32, #tpu.memory_space<hbm>> -> memref<10000x64xf32, #tpu.memory_space<hbm>>
    tpu.enqueue_indirect_dma source(%dma_start3A_38 : memref<10000x64xf32, #tpu.memory_space<hbm>>) target(%arg10 : memref<128x64xf32, #tpu.memory_space<vmem>>) offsets(%dma_start3A_35 : memref<128xi32, #tpu.memory_space<vmem>>) semaphore(%arg16 : memref<!tpu.dma_semaphore, #tpu.memory_space<semaphore_mem>>)
    %dma_start3A_39 = arith.constant 2 : i32
    %dma_start3A_40 = arith.constant 0 : i32
    %dma_start3A_41 = tpu.memref_slice %arg7[%dma_start3A_39, %dma_start3A_40] : memref<80x128xi32, #tpu.memory_space<vmem>> -> memref<1x128xi32, #tpu.memory_space<vmem>>
    %dma_start3A_42 = tpu.memref_squeeze %dma_start3A_41 : memref<1x128xi32, #tpu.memory_space<vmem>> -> memref<128xi32, #tpu.memory_space<vmem>>
    %dma_start3A_43 = arith.constant 0 : i32
    %dma_start3A_44 = arith.constant 0 : i32
    %dma_start3A_45 = tpu.memref_slice %arg2[%dma_start3A_43, %dma_start3A_44] : memref<10000x64xf32, #tpu.memory_space<hbm>> -> memref<10000x64xf32, #tpu.memory_space<hbm>>
    tpu.enqueue_indirect_dma source(%dma_start3A_45 : memref<10000x64xf32, #tpu.memory_space<hbm>>) target(%arg11 : memref<128x64xf32, #tpu.memory_space<vmem>>) offsets(%dma_start3A_42 : memref<128xi32, #tpu.memory_space<vmem>>) semaphore(%arg17 : memref<!tpu.dma_semaphore, #tpu.memory_space<semaphore_mem>>)
    %dma_start3A_46 = arith.constant 3 : i32
    %dma_start3A_47 = arith.constant 0 : i32
    %dma_start3A_48 = tpu.memref_slice %arg7[%dma_start3A_46, %dma_start3A_47] : memref<80x128xi32, #tpu.memory_space<vmem>> -> memref<1x128xi32, #tpu.memory_space<vmem>>
    %dma_start3A_49 = tpu.memref_squeeze %dma_start3A_48 : memref<1x128xi32, #tpu.memory_space<vmem>> -> memref<128xi32, #tpu.memory_space<vmem>>
    %dma_start3A_50 = arith.constant 0 : i32
    %dma_start3A_51 = arith.constant 0 : i32
    %dma_start3A_52 = tpu.memref_slice %arg2[%dma_start3A_50, %dma_start3A_51] : memref<10000x64xf32, #tpu.memory_space<hbm>> -> memref<10000x64xf32, #tpu.memory_space<hbm>>
    tpu.enqueue_indirect_dma source(%dma_start3A_52 : memref<10000x64xf32, #tpu.memory_space<hbm>>) target(%arg12 : memref<128x64xf32, #tpu.memory_space<vmem>>) offsets(%dma_start3A_49 : memref<128xi32, #tpu.memory_space<vmem>>) semaphore(%arg18 : memref<!tpu.dma_semaphore, #tpu.memory_space<semaphore_mem>>)
    %scan3A_53 = arith.constant 0 : i32
    %scan3A_54 = arith.constant 19 : i32
    %scan3A_55 = arith.addi %scan3A_53, %scan3A_54 : i32
    %scan3A_56 = arith.constant 1 : i32
    scf.for %scan3A_292 = %scan3A_53 to %scan3A_55 step %scan3A_56  : i32 {
      %mul3A_293 = arith.constant 1 : i32
      %mul3A_294 = arith.muli %scan3A_292, %mul3A_293 : i32
      %add3A_295 = arith.constant 0 : i32
      %add3A_296 = arith.addi %add3A_295, %mul3A_294 : i32
      %mul3A_297 = arith.constant 4 : i32
      %mul3A_298 = arith.muli %mul3A_297, %add3A_296 : i32
      %add3A_299 = arith.constant 0 : i32
      %add3A_300 = arith.addi %mul3A_298, %add3A_299 : i32
      %dma_wait3A_301 = arith.constant 0 : i32
      %dma_wait3A_302 = tpu.memref_slice %arg7[%add3A_300, %dma_wait3A_301] : memref<80x128xi32, #tpu.memory_space<vmem>> -> memref<1x128xi32, #tpu.memory_space<vmem>>
      %dma_wait3A_303 = tpu.memref_squeeze %dma_wait3A_302 : memref<1x128xi32, #tpu.memory_space<vmem>> -> memref<128xi32, #tpu.memory_space<vmem>>
      %dma_wait3A_304 = arith.constant 0 : i32
      %dma_wait3A_305 = arith.constant 0 : i32
      %dma_wait3A_306 = tpu.memref_slice %arg2[%dma_wait3A_304, %dma_wait3A_305] : memref<10000x64xf32, #tpu.memory_space<hbm>> -> memref<10000x64xf32, #tpu.memory_space<hbm>>
      tpu.wait_indirect_dma semaphore(%arg15 : memref<!tpu.dma_semaphore, #tpu.memory_space<semaphore_mem>>) src(%dma_wait3A_306 : memref<10000x64xf32, #tpu.memory_space<hbm>>) dst(%arg9 : memref<128x64xf32, #tpu.memory_space<vmem>>)
      %add3A_307 = arith.constant 0 : i32
      %add3A_308 = arith.addi %mul3A_298, %add3A_307 : i32
      %dma_start3A_309 = arith.constant 0 : i32
      %dma_start3A_310 = tpu.memref_slice %arg8[%add3A_308, %dma_start3A_309] : memref<80x128xi32, #tpu.memory_space<vmem>> -> memref<1x128xi32, #tpu.memory_space<vmem>>
      %dma_start3A_311 = tpu.memref_squeeze %dma_start3A_310 : memref<1x128xi32, #tpu.memory_space<vmem>> -> memref<128xi32, #tpu.memory_space<vmem>>
      %dma_start3A_312 = arith.constant 0 : i32
      %dma_start3A_313 = arith.constant 0 : i32
      %dma_start3A_314 = tpu.memref_slice %arg14[%dma_start3A_312, %dma_start3A_313] : memref<10240x64xf32, #tpu.memory_space<vmem_shared>> -> memref<10240x64xf32, #tpu.memory_space<vmem_shared>>
      tpu.enqueue_indirect_dma source(%arg9 : memref<128x64xf32, #tpu.memory_space<vmem>>) target(%dma_start3A_314 : memref<10240x64xf32, #tpu.memory_space<vmem_shared>>) offsets(%dma_start3A_311 : memref<128xi32, #tpu.memory_space<vmem>>) semaphore(%arg19 : memref<!tpu.dma_semaphore, #tpu.memory_space<semaphore_mem>>) {add = true}
      %add3A_315 = arith.constant 1 : i32
      %add3A_316 = arith.addi %mul3A_298, %add3A_315 : i32
      %dma_wait3A_317 = arith.constant 0 : i32
      %dma_wait3A_318 = tpu.memref_slice %arg7[%add3A_316, %dma_wait3A_317] : memref<80x128xi32, #tpu.memory_space<vmem>> -> memref<1x128xi32, #tpu.memory_space<vmem>>
      %dma_wait3A_319 = tpu.memref_squeeze %dma_wait3A_318 : memref<1x128xi32, #tpu.memory_space<vmem>> -> memref<128xi32, #tpu.memory_space<vmem>>
      %dma_wait3A_320 = arith.constant 0 : i32
      %dma_wait3A_321 = arith.constant 0 : i32
      %dma_wait3A_322 = tpu.memref_slice %arg2[%dma_wait3A_320, %dma_wait3A_321] : memref<10000x64xf32, #tpu.memory_space<hbm>> -> memref<10000x64xf32, #tpu.memory_space<hbm>>
      tpu.wait_indirect_dma semaphore(%arg16 : memref<!tpu.dma_semaphore, #tpu.memory_space<semaphore_mem>>) src(%dma_wait3A_322 : memref<10000x64xf32, #tpu.memory_space<hbm>>) dst(%arg10 : memref<128x64xf32, #tpu.memory_space<vmem>>)
      %add3A_323 = arith.constant 1 : i32
      %add3A_324 = arith.addi %mul3A_298, %add3A_323 : i32
      %dma_start3A_325 = arith.constant 0 : i32
      %dma_start3A_326 = tpu.memref_slice %arg8[%add3A_324, %dma_start3A_325] : memref<80x128xi32, #tpu.memory_space<vmem>> -> memref<1x128xi32, #tpu.memory_space<vmem>>
      %dma_start3A_327 = tpu.memref_squeeze %dma_start3A_326 : memref<1x128xi32, #tpu.memory_space<vmem>> -> memref<128xi32, #tpu.memory_space<vmem>>
      %dma_start3A_328 = arith.constant 0 : i32
      %dma_start3A_329 = arith.constant 0 : i32
      %dma_start3A_330 = tpu.memref_slice %arg14[%dma_start3A_328, %dma_start3A_329] : memref<10240x64xf32, #tpu.memory_space<vmem_shared>> -> memref<10240x64xf32, #tpu.memory_space<vmem_shared>>
      tpu.enqueue_indirect_dma source(%arg10 : memref<128x64xf32, #tpu.memory_space<vmem>>) target(%dma_start3A_330 : memref<10240x64xf32, #tpu.memory_space<vmem_shared>>) offsets(%dma_start3A_327 : memref<128xi32, #tpu.memory_space<vmem>>) semaphore(%arg20 : memref<!tpu.dma_semaphore, #tpu.memory_space<semaphore_mem>>) {add = true}
      %add3A_331 = arith.constant 2 : i32
      %add3A_332 = arith.addi %mul3A_298, %add3A_331 : i32
      %dma_wait3A_333 = arith.constant 0 : i32
      %dma_wait3A_334 = tpu.memref_slice %arg7[%add3A_332, %dma_wait3A_333] : memref<80x128xi32, #tpu.memory_space<vmem>> -> memref<1x128xi32, #tpu.memory_space<vmem>>
      %dma_wait3A_335 = tpu.memref_squeeze %dma_wait3A_334 : memref<1x128xi32, #tpu.memory_space<vmem>> -> memref<128xi32, #tpu.memory_space<vmem>>
      %dma_wait3A_336 = arith.constant 0 : i32
      %dma_wait3A_337 = arith.constant 0 : i32
      %dma_wait3A_338 = tpu.memref_slice %arg2[%dma_wait3A_336, %dma_wait3A_337] : memref<10000x64xf32, #tpu.memory_space<hbm>> -> memref<10000x64xf32, #tpu.memory_space<hbm>>
      tpu.wait_indirect_dma semaphore(%arg17 : memref<!tpu.dma_semaphore, #tpu.memory_space<semaphore_mem>>) src(%dma_wait3A_338 : memref<10000x64xf32, #tpu.memory_space<hbm>>) dst(%arg11 : memref<128x64xf32, #tpu.memory_space<vmem>>)
      %add3A_339 = arith.constant 2 : i32
      %add3A_340 = arith.addi %mul3A_298, %add3A_339 : i32
      %dma_start3A_341 = arith.constant 0 : i32
      %dma_start3A_342 = tpu.memref_slice %arg8[%add3A_340, %dma_start3A_341] : memref<80x128xi32, #tpu.memory_space<vmem>> -> memref<1x128xi32, #tpu.memory_space<vmem>>
      %dma_start3A_343 = tpu.memref_squeeze %dma_start3A_342 : memref<1x128xi32, #tpu.memory_space<vmem>> -> memref<128xi32, #tpu.memory_space<vmem>>
      %dma_start3A_344 = arith.constant 0 : i32
      %dma_start3A_345 = arith.constant 0 : i32
      %dma_start3A_346 = tpu.memref_slice %arg14[%dma_start3A_344, %dma_start3A_345] : memref<10240x64xf32, #tpu.memory_space<vmem_shared>> -> memref<10240x64xf32, #tpu.memory_space<vmem_shared>>
      tpu.enqueue_indirect_dma source(%arg11 : memref<128x64xf32, #tpu.memory_space<vmem>>) target(%dma_start3A_346 : memref<10240x64xf32, #tpu.memory_space<vmem_shared>>) offsets(%dma_start3A_343 : memref<128xi32, #tpu.memory_space<vmem>>) semaphore(%arg21 : memref<!tpu.dma_semaphore, #tpu.memory_space<semaphore_mem>>) {add = true}
      %add3A_347 = arith.constant 3 : i32
      %add3A_348 = arith.addi %mul3A_298, %add3A_347 : i32
      %dma_wait3A_349 = arith.constant 0 : i32
      %dma_wait3A_350 = tpu.memref_slice %arg7[%add3A_348, %dma_wait3A_349] : memref<80x128xi32, #tpu.memory_space<vmem>> -> memref<1x128xi32, #tpu.memory_space<vmem>>
      %dma_wait3A_351 = tpu.memref_squeeze %dma_wait3A_350 : memref<1x128xi32, #tpu.memory_space<vmem>> -> memref<128xi32, #tpu.memory_space<vmem>>
      %dma_wait3A_352 = arith.constant 0 : i32
      %dma_wait3A_353 = arith.constant 0 : i32
      %dma_wait3A_354 = tpu.memref_slice %arg2[%dma_wait3A_352, %dma_wait3A_353] : memref<10000x64xf32, #tpu.memory_space<hbm>> -> memref<10000x64xf32, #tpu.memory_space<hbm>>
      tpu.wait_indirect_dma semaphore(%arg18 : memref<!tpu.dma_semaphore, #tpu.memory_space<semaphore_mem>>) src(%dma_wait3A_354 : memref<10000x64xf32, #tpu.memory_space<hbm>>) dst(%arg12 : memref<128x64xf32, #tpu.memory_space<vmem>>)
      %add3A_355 = arith.constant 3 : i32
      %add3A_356 = arith.addi %mul3A_298, %add3A_355 : i32
      %dma_start3A_357 = arith.constant 0 : i32
      %dma_start3A_358 = tpu.memref_slice %arg8[%add3A_356, %dma_start3A_357] : memref<80x128xi32, #tpu.memory_space<vmem>> -> memref<1x128xi32, #tpu.memory_space<vmem>>
      %dma_start3A_359 = tpu.memref_squeeze %dma_start3A_358 : memref<1x128xi32, #tpu.memory_space<vmem>> -> memref<128xi32, #tpu.memory_space<vmem>>
      %dma_start3A_360 = arith.constant 0 : i32
      %dma_start3A_361 = arith.constant 0 : i32
      %dma_start3A_362 = tpu.memref_slice %arg14[%dma_start3A_360, %dma_start3A_361] : memref<10240x64xf32, #tpu.memory_space<vmem_shared>> -> memref<10240x64xf32, #tpu.memory_space<vmem_shared>>
      tpu.enqueue_indirect_dma source(%arg12 : memref<128x64xf32, #tpu.memory_space<vmem>>) target(%dma_start3A_362 : memref<10240x64xf32, #tpu.memory_space<vmem_shared>>) offsets(%dma_start3A_359 : memref<128xi32, #tpu.memory_space<vmem>>) semaphore(%arg22 : memref<!tpu.dma_semaphore, #tpu.memory_space<semaphore_mem>>) {add = true}
      %dma_wait3A_363 = arith.constant 0 : i32
      %dma_wait3A_364 = tpu.memref_slice %arg8[%add3A_308, %dma_wait3A_363] : memref<80x128xi32, #tpu.memory_space<vmem>> -> memref<1x128xi32, #tpu.memory_space<vmem>>
      %dma_wait3A_365 = tpu.memref_squeeze %dma_wait3A_364 : memref<1x128xi32, #tpu.memory_space<vmem>> -> memref<128xi32, #tpu.memory_space<vmem>>
      %dma_wait3A_366 = arith.constant 0 : i32
      %dma_wait3A_367 = arith.constant 0 : i32
      %dma_wait3A_368 = tpu.memref_slice %arg14[%dma_wait3A_366, %dma_wait3A_367] : memref<10240x64xf32, #tpu.memory_space<vmem_shared>> -> memref<10240x64xf32, #tpu.memory_space<vmem_shared>>
      tpu.wait_indirect_dma semaphore(%arg19 : memref<!tpu.dma_semaphore, #tpu.memory_space<semaphore_mem>>) src(%arg9 : memref<128x64xf32, #tpu.memory_space<vmem>>) dst(%dma_wait3A_368 : memref<10240x64xf32, #tpu.memory_space<vmem_shared>>)
      %add3A_369 = arith.constant 4 : i32
      %add3A_370 = arith.addi %mul3A_298, %add3A_369 : i32
      %add3A_371 = arith.constant 0 : i32
      %add3A_372 = arith.addi %add3A_370, %add3A_371 : i32
      %dma_start3A_373 = arith.constant 0 : i32
      %dma_start3A_374 = tpu.memref_slice %arg7[%add3A_372, %dma_start3A_373] : memref<80x128xi32, #tpu.memory_space<vmem>> -> memref<1x128xi32, #tpu.memory_space<vmem>>
      %dma_start3A_375 = tpu.memref_squeeze %dma_start3A_374 : memref<1x128xi32, #tpu.memory_space<vmem>> -> memref<128xi32, #tpu.memory_space<vmem>>
      %dma_start3A_376 = arith.constant 0 : i32
      %dma_start3A_377 = arith.constant 0 : i32
      %dma_start3A_378 = tpu.memref_slice %arg2[%dma_start3A_376, %dma_start3A_377] : memref<10000x64xf32, #tpu.memory_space<hbm>> -> memref<10000x64xf32, #tpu.memory_space<hbm>>
      tpu.enqueue_indirect_dma source(%dma_start3A_378 : memref<10000x64xf32, #tpu.memory_space<hbm>>) target(%arg9 : memref<128x64xf32, #tpu.memory_space<vmem>>) offsets(%dma_start3A_375 : memref<128xi32, #tpu.memory_space<vmem>>) semaphore(%arg15 : memref<!tpu.dma_semaphore, #tpu.memory_space<semaphore_mem>>)
      %dma_wait3A_379 = arith.constant 0 : i32
      %dma_wait3A_380 = tpu.memref_slice %arg8[%add3A_324, %dma_wait3A_379] : memref<80x128xi32, #tpu.memory_space<vmem>> -> memref<1x128xi32, #tpu.memory_space<vmem>>
      %dma_wait3A_381 = tpu.memref_squeeze %dma_wait3A_380 : memref<1x128xi32, #tpu.memory_space<vmem>> -> memref<128xi32, #tpu.memory_space<vmem>>
      %dma_wait3A_382 = arith.constant 0 : i32
      %dma_wait3A_383 = arith.constant 0 : i32
      %dma_wait3A_384 = tpu.memref_slice %arg14[%dma_wait3A_382, %dma_wait3A_383] : memref<10240x64xf32, #tpu.memory_space<vmem_shared>> -> memref<10240x64xf32, #tpu.memory_space<vmem_shared>>
      tpu.wait_indirect_dma semaphore(%arg20 : memref<!tpu.dma_semaphore, #tpu.memory_space<semaphore_mem>>) src(%arg10 : memref<128x64xf32, #tpu.memory_space<vmem>>) dst(%dma_wait3A_384 : memref<10240x64xf32, #tpu.memory_space<vmem_shared>>)
      %add3A_385 = arith.constant 4 : i32
      %add3A_386 = arith.addi %mul3A_298, %add3A_385 : i32
      %add3A_387 = arith.constant 1 : i32
      %add3A_388 = arith.addi %add3A_386, %add3A_387 : i32
      %dma_start3A_389 = arith.constant 0 : i32
      %dma_start3A_390 = tpu.memref_slice %arg7[%add3A_388, %dma_start3A_389] : memref<80x128xi32, #tpu.memory_space<vmem>> -> memref<1x128xi32, #tpu.memory_space<vmem>>
      %dma_start3A_391 = tpu.memref_squeeze %dma_start3A_390 : memref<1x128xi32, #tpu.memory_space<vmem>> -> memref<128xi32, #tpu.memory_space<vmem>>
      %dma_start3A_392 = arith.constant 0 : i32
      %dma_start3A_393 = arith.constant 0 : i32
      %dma_start3A_394 = tpu.memref_slice %arg2[%dma_start3A_392, %dma_start3A_393] : memref<10000x64xf32, #tpu.memory_space<hbm>> -> memref<10000x64xf32, #tpu.memory_space<hbm>>
      tpu.enqueue_indirect_dma source(%dma_start3A_394 : memref<10000x64xf32, #tpu.memory_space<hbm>>) target(%arg10 : memref<128x64xf32, #tpu.memory_space<vmem>>) offsets(%dma_start3A_391 : memref<128xi32, #tpu.memory_space<vmem>>) semaphore(%arg16 : memref<!tpu.dma_semaphore, #tpu.memory_space<semaphore_mem>>)
      %dma_wait3A_395 = arith.constant 0 : i32
      %dma_wait3A_396 = tpu.memref_slice %arg8[%add3A_340, %dma_wait3A_395] : memref<80x128xi32, #tpu.memory_space<vmem>> -> memref<1x128xi32, #tpu.memory_space<vmem>>
      %dma_wait3A_397 = tpu.memref_squeeze %dma_wait3A_396 : memref<1x128xi32, #tpu.memory_space<vmem>> -> memref<128xi32, #tpu.memory_space<vmem>>
      %dma_wait3A_398 = arith.constant 0 : i32
      %dma_wait3A_399 = arith.constant 0 : i32
      %dma_wait3A_400 = tpu.memref_slice %arg14[%dma_wait3A_398, %dma_wait3A_399] : memref<10240x64xf32, #tpu.memory_space<vmem_shared>> -> memref<10240x64xf32, #tpu.memory_space<vmem_shared>>
      tpu.wait_indirect_dma semaphore(%arg21 : memref<!tpu.dma_semaphore, #tpu.memory_space<semaphore_mem>>) src(%arg11 : memref<128x64xf32, #tpu.memory_space<vmem>>) dst(%dma_wait3A_400 : memref<10240x64xf32, #tpu.memory_space<vmem_shared>>)
      %add3A_401 = arith.constant 4 : i32
      %add3A_402 = arith.addi %mul3A_298, %add3A_401 : i32
      %add3A_403 = arith.constant 2 : i32
      %add3A_404 = arith.addi %add3A_402, %add3A_403 : i32
      %dma_start3A_405 = arith.constant 0 : i32
      %dma_start3A_406 = tpu.memref_slice %arg7[%add3A_404, %dma_start3A_405] : memref<80x128xi32, #tpu.memory_space<vmem>> -> memref<1x128xi32, #tpu.memory_space<vmem>>
      %dma_start3A_407 = tpu.memref_squeeze %dma_start3A_406 : memref<1x128xi32, #tpu.memory_space<vmem>> -> memref<128xi32, #tpu.memory_space<vmem>>
      %dma_start3A_408 = arith.constant 0 : i32
      %dma_start3A_409 = arith.constant 0 : i32
      %dma_start3A_410 = tpu.memref_slice %arg2[%dma_start3A_408, %dma_start3A_409] : memref<10000x64xf32, #tpu.memory_space<hbm>> -> memref<10000x64xf32, #tpu.memory_space<hbm>>
      tpu.enqueue_indirect_dma source(%dma_start3A_410 : memref<10000x64xf32, #tpu.memory_space<hbm>>) target(%arg11 : memref<128x64xf32, #tpu.memory_space<vmem>>) offsets(%dma_start3A_407 : memref<128xi32, #tpu.memory_space<vmem>>) semaphore(%arg17 : memref<!tpu.dma_semaphore, #tpu.memory_space<semaphore_mem>>)
      %dma_wait3A_411 = arith.constant 0 : i32
      %dma_wait3A_412 = tpu.memref_slice %arg8[%add3A_356, %dma_wait3A_411] : memref<80x128xi32, #tpu.memory_space<vmem>> -> memref<1x128xi32, #tpu.memory_space<vmem>>
      %dma_wait3A_413 = tpu.memref_squeeze %dma_wait3A_412 : memref<1x128xi32, #tpu.memory_space<vmem>> -> memref<128xi32, #tpu.memory_space<vmem>>
      %dma_wait3A_414 = arith.constant 0 : i32
      %dma_wait3A_415 = arith.constant 0 : i32
      %dma_wait3A_416 = tpu.memref_slice %arg14[%dma_wait3A_414, %dma_wait3A_415] : memref<10240x64xf32, #tpu.memory_space<vmem_shared>> -> memref<10240x64xf32, #tpu.memory_space<vmem_shared>>
      tpu.wait_indirect_dma semaphore(%arg22 : memref<!tpu.dma_semaphore, #tpu.memory_space<semaphore_mem>>) src(%arg12 : memref<128x64xf32, #tpu.memory_space<vmem>>) dst(%dma_wait3A_416 : memref<10240x64xf32, #tpu.memory_space<vmem_shared>>)
      %add3A_417 = arith.constant 4 : i32
      %add3A_418 = arith.addi %mul3A_298, %add3A_417 : i32
      %add3A_419 = arith.constant 3 : i32
      %add3A_420 = arith.addi %add3A_418, %add3A_419 : i32
      %dma_start3A_421 = arith.constant 0 : i32
      %dma_start3A_422 = tpu.memref_slice %arg7[%add3A_420, %dma_start3A_421] : memref<80x128xi32, #tpu.memory_space<vmem>> -> memref<1x128xi32, #tpu.memory_space<vmem>>
      %dma_start3A_423 = tpu.memref_squeeze %dma_start3A_422 : memref<1x128xi32, #tpu.memory_space<vmem>> -> memref<128xi32, #tpu.memory_space<vmem>>
      %dma_start3A_424 = arith.constant 0 : i32
      %dma_start3A_425 = arith.constant 0 : i32
      %dma_start3A_426 = tpu.memref_slice %arg2[%dma_start3A_424, %dma_start3A_425] : memref<10000x64xf32, #tpu.memory_space<hbm>> -> memref<10000x64xf32, #tpu.memory_space<hbm>>
      tpu.enqueue_indirect_dma source(%dma_start3A_426 : memref<10000x64xf32, #tpu.memory_space<hbm>>) target(%arg12 : memref<128x64xf32, #tpu.memory_space<vmem>>) offsets(%dma_start3A_423 : memref<128xi32, #tpu.memory_space<vmem>>) semaphore(%arg18 : memref<!tpu.dma_semaphore, #tpu.memory_space<semaphore_mem>>)
    }
    %scan3A_57 = arith.constant 19 : i32
    %dma_wait3A = arith.constant 76 : i32
    %dma_wait3A_58 = arith.constant 0 : i32
    %dma_wait3A_59 = tpu.memref_slice %arg7[%dma_wait3A, %dma_wait3A_58] : memref<80x128xi32, #tpu.memory_space<vmem>> -> memref<1x128xi32, #tpu.memory_space<vmem>>
    %dma_wait3A_60 = tpu.memref_squeeze %dma_wait3A_59 : memref<1x128xi32, #tpu.memory_space<vmem>> -> memref<128xi32, #tpu.memory_space<vmem>>
    %dma_wait3A_61 = arith.constant 0 : i32
    %dma_wait3A_62 = arith.constant 0 : i32
    %dma_wait3A_63 = tpu.memref_slice %arg2[%dma_wait3A_61, %dma_wait3A_62] : memref<10000x64xf32, #tpu.memory_space<hbm>> -> memref<10000x64xf32, #tpu.memory_space<hbm>>
    tpu.wait_indirect_dma semaphore(%arg15 : memref<!tpu.dma_semaphore, #tpu.memory_space<semaphore_mem>>) src(%dma_wait3A_63 : memref<10000x64xf32, #tpu.memory_space<hbm>>) dst(%arg9 : memref<128x64xf32, #tpu.memory_space<vmem>>)
    %dma_start3A_64 = arith.constant 76 : i32
    %dma_start3A_65 = arith.constant 0 : i32
    %dma_start3A_66 = tpu.memref_slice %arg8[%dma_start3A_64, %dma_start3A_65] : memref<80x128xi32, #tpu.memory_space<vmem>> -> memref<1x128xi32, #tpu.memory_space<vmem>>
    %dma_start3A_67 = tpu.memref_squeeze %dma_start3A_66 : memref<1x128xi32, #tpu.memory_space<vmem>> -> memref<128xi32, #tpu.memory_space<vmem>>
    %dma_start3A_68 = arith.constant 0 : i32
    %dma_start3A_69 = arith.constant 0 : i32
    %dma_start3A_70 = tpu.memref_slice %arg14[%dma_start3A_68, %dma_start3A_69] : memref<10240x64xf32, #tpu.memory_space<vmem_shared>> -> memref<10240x64xf32, #tpu.memory_space<vmem_shared>>
    tpu.enqueue_indirect_dma source(%arg9 : memref<128x64xf32, #tpu.memory_space<vmem>>) target(%dma_start3A_70 : memref<10240x64xf32, #tpu.memory_space<vmem_shared>>) offsets(%dma_start3A_67 : memref<128xi32, #tpu.memory_space<vmem>>) semaphore(%arg19 : memref<!tpu.dma_semaphore, #tpu.memory_space<semaphore_mem>>) {add = true}
    %dma_wait3A_71 = arith.constant 77 : i32
    %dma_wait3A_72 = arith.constant 0 : i32
    %dma_wait3A_73 = tpu.memref_slice %arg7[%dma_wait3A_71, %dma_wait3A_72] : memref<80x128xi32, #tpu.memory_space<vmem>> -> memref<1x128xi32, #tpu.memory_space<vmem>>
    %dma_wait3A_74 = tpu.memref_squeeze %dma_wait3A_73 : memref<1x128xi32, #tpu.memory_space<vmem>> -> memref<128xi32, #tpu.memory_space<vmem>>
    %dma_wait3A_75 = arith.constant 0 : i32
    %dma_wait3A_76 = arith.constant 0 : i32
    %dma_wait3A_77 = tpu.memref_slice %arg2[%dma_wait3A_75, %dma_wait3A_76] : memref<10000x64xf32, #tpu.memory_space<hbm>> -> memref<10000x64xf32, #tpu.memory_space<hbm>>
    tpu.wait_indirect_dma semaphore(%arg16 : memref<!tpu.dma_semaphore, #tpu.memory_space<semaphore_mem>>) src(%dma_wait3A_77 : memref<10000x64xf32, #tpu.memory_space<hbm>>) dst(%arg10 : memref<128x64xf32, #tpu.memory_space<vmem>>)
    %dma_start3A_78 = arith.constant 77 : i32
    %dma_start3A_79 = arith.constant 0 : i32
    %dma_start3A_80 = tpu.memref_slice %arg8[%dma_start3A_78, %dma_start3A_79] : memref<80x128xi32, #tpu.memory_space<vmem>> -> memref<1x128xi32, #tpu.memory_space<vmem>>
    %dma_start3A_81 = tpu.memref_squeeze %dma_start3A_80 : memref<1x128xi32, #tpu.memory_space<vmem>> -> memref<128xi32, #tpu.memory_space<vmem>>
    %dma_start3A_82 = arith.constant 0 : i32
    %dma_start3A_83 = arith.constant 0 : i32
    %dma_start3A_84 = tpu.memref_slice %arg14[%dma_start3A_82, %dma_start3A_83] : memref<10240x64xf32, #tpu.memory_space<vmem_shared>> -> memref<10240x64xf32, #tpu.memory_space<vmem_shared>>
    tpu.enqueue_indirect_dma source(%arg10 : memref<128x64xf32, #tpu.memory_space<vmem>>) target(%dma_start3A_84 : memref<10240x64xf32, #tpu.memory_space<vmem_shared>>) offsets(%dma_start3A_81 : memref<128xi32, #tpu.memory_space<vmem>>) semaphore(%arg20 : memref<!tpu.dma_semaphore, #tpu.memory_space<semaphore_mem>>) {add = true}
    %dma_wait3A_85 = arith.constant 78 : i32
    %dma_wait3A_86 = arith.constant 0 : i32
    %dma_wait3A_87 = tpu.memref_slice %arg7[%dma_wait3A_85, %dma_wait3A_86] : memref<80x128xi32, #tpu.memory_space<vmem>> -> memref<1x128xi32, #tpu.memory_space<vmem>>
    %dma_wait3A_88 = tpu.memref_squeeze %dma_wait3A_87 : memref<1x128xi32, #tpu.memory_space<vmem>> -> memref<128xi32, #tpu.memory_space<vmem>>
    %dma_wait3A_89 = arith.constant 0 : i32
    %dma_wait3A_90 = arith.constant 0 : i32
    %dma_wait3A_91 = tpu.memref_slice %arg2[%dma_wait3A_89, %dma_wait3A_90] : memref<10000x64xf32, #tpu.memory_space<hbm>> -> memref<10000x64xf32, #tpu.memory_space<hbm>>
    tpu.wait_indirect_dma semaphore(%arg17 : memref<!tpu.dma_semaphore, #tpu.memory_space<semaphore_mem>>) src(%dma_wait3A_91 : memref<10000x64xf32, #tpu.memory_space<hbm>>) dst(%arg11 : memref<128x64xf32, #tpu.memory_space<vmem>>)
    %dma_start3A_92 = arith.constant 78 : i32
    %dma_start3A_93 = arith.constant 0 : i32
    %dma_start3A_94 = tpu.memref_slice %arg8[%dma_start3A_92, %dma_start3A_93] : memref<80x128xi32, #tpu.memory_space<vmem>> -> memref<1x128xi32, #tpu.memory_space<vmem>>
    %dma_start3A_95 = tpu.memref_squeeze %dma_start3A_94 : memref<1x128xi32, #tpu.memory_space<vmem>> -> memref<128xi32, #tpu.memory_space<vmem>>
    %dma_start3A_96 = arith.constant 0 : i32
    %dma_start3A_97 = arith.constant 0 : i32
    %dma_start3A_98 = tpu.memref_slice %arg14[%dma_start3A_96, %dma_start3A_97] : memref<10240x64xf32, #tpu.memory_space<vmem_shared>> -> memref<10240x64xf32, #tpu.memory_space<vmem_shared>>
    tpu.enqueue_indirect_dma source(%arg11 : memref<128x64xf32, #tpu.memory_space<vmem>>) target(%dma_start3A_98 : memref<10240x64xf32, #tpu.memory_space<vmem_shared>>) offsets(%dma_start3A_95 : memref<128xi32, #tpu.memory_space<vmem>>) semaphore(%arg21 : memref<!tpu.dma_semaphore, #tpu.memory_space<semaphore_mem>>) {add = true}
    %dma_wait3A_99 = arith.constant 79 : i32
    %dma_wait3A_100 = arith.constant 0 : i32
    %dma_wait3A_101 = tpu.memref_slice %arg7[%dma_wait3A_99, %dma_wait3A_100] : memref<80x128xi32, #tpu.memory_space<vmem>> -> memref<1x128xi32, #tpu.memory_space<vmem>>
    %dma_wait3A_102 = tpu.memref_squeeze %dma_wait3A_101 : memref<1x128xi32, #tpu.memory_space<vmem>> -> memref<128xi32, #tpu.memory_space<vmem>>
    %dma_wait3A_103 = arith.constant 0 : i32
    %dma_wait3A_104 = arith.constant 0 : i32
    %dma_wait3A_105 = tpu.memref_slice %arg2[%dma_wait3A_103, %dma_wait3A_104] : memref<10000x64xf32, #tpu.memory_space<hbm>> -> memref<10000x64xf32, #tpu.memory_space<hbm>>
    tpu.wait_indirect_dma semaphore(%arg18 : memref<!tpu.dma_semaphore, #tpu.memory_space<semaphore_mem>>) src(%dma_wait3A_105 : memref<10000x64xf32, #tpu.memory_space<hbm>>) dst(%arg12 : memref<128x64xf32, #tpu.memory_space<vmem>>)
    %dma_start3A_106 = arith.constant 79 : i32
    %dma_start3A_107 = arith.constant 0 : i32
    %dma_start3A_108 = tpu.memref_slice %arg8[%dma_start3A_106, %dma_start3A_107] : memref<80x128xi32, #tpu.memory_space<vmem>> -> memref<1x128xi32, #tpu.memory_space<vmem>>
    %dma_start3A_109 = tpu.memref_squeeze %dma_start3A_108 : memref<1x128xi32, #tpu.memory_space<vmem>> -> memref<128xi32, #tpu.memory_space<vmem>>
    %dma_start3A_110 = arith.constant 0 : i32
    %dma_start3A_111 = arith.constant 0 : i32
    %dma_start3A_112 = tpu.memref_slice %arg14[%dma_start3A_110, %dma_start3A_111] : memref<10240x64xf32, #tpu.memory_space<vmem_shared>> -> memref<10240x64xf32, #tpu.memory_space<vmem_shared>>
    tpu.enqueue_indirect_dma source(%arg12 : memref<128x64xf32, #tpu.memory_space<vmem>>) target(%dma_start3A_112 : memref<10240x64xf32, #tpu.memory_space<vmem_shared>>) offsets(%dma_start3A_109 : memref<128xi32, #tpu.memory_space<vmem>>) semaphore(%arg22 : memref<!tpu.dma_semaphore, #tpu.memory_space<semaphore_mem>>) {add = true}
    %dma_wait3A_113 = arith.constant 76 : i32
    %dma_wait3A_114 = arith.constant 0 : i32
    %dma_wait3A_115 = tpu.memref_slice %arg8[%dma_wait3A_113, %dma_wait3A_114] : memref<80x128xi32, #tpu.memory_space<vmem>> -> memref<1x128xi32, #tpu.memory_space<vmem>>
    %dma_wait3A_116 = tpu.memref_squeeze %dma_wait3A_115 : memref<1x128xi32, #tpu.memory_space<vmem>> -> memref<128xi32, #tpu.memory_space<vmem>>
    %dma_wait3A_117 = arith.constant 0 : i32
    %dma_wait3A_118 = arith.constant 0 : i32
    %dma_wait3A_119 = tpu.memref_slice %arg14[%dma_wait3A_117, %dma_wait3A_118] : memref<10240x64xf32, #tpu.memory_space<vmem_shared>> -> memref<10240x64xf32, #tpu.memory_space<vmem_shared>>
    tpu.wait_indirect_dma semaphore(%arg19 : memref<!tpu.dma_semaphore, #tpu.memory_space<semaphore_mem>>) src(%arg9 : memref<128x64xf32, #tpu.memory_space<vmem>>) dst(%dma_wait3A_119 : memref<10240x64xf32, #tpu.memory_space<vmem_shared>>)
    %dma_wait3A_120 = arith.constant 77 : i32
    %dma_wait3A_121 = arith.constant 0 : i32
    %dma_wait3A_122 = tpu.memref_slice %arg8[%dma_wait3A_120, %dma_wait3A_121] : memref<80x128xi32, #tpu.memory_space<vmem>> -> memref<1x128xi32, #tpu.memory_space<vmem>>
    %dma_wait3A_123 = tpu.memref_squeeze %dma_wait3A_122 : memref<1x128xi32, #tpu.memory_space<vmem>> -> memref<128xi32, #tpu.memory_space<vmem>>
    %dma_wait3A_124 = arith.constant 0 : i32
    %dma_wait3A_125 = arith.constant 0 : i32
    %dma_wait3A_126 = tpu.memref_slice %arg14[%dma_wait3A_124, %dma_wait3A_125] : memref<10240x64xf32, #tpu.memory_space<vmem_shared>> -> memref<10240x64xf32, #tpu.memory_space<vmem_shared>>
    tpu.wait_indirect_dma semaphore(%arg20 : memref<!tpu.dma_semaphore, #tpu.memory_space<semaphore_mem>>) src(%arg10 : memref<128x64xf32, #tpu.memory_space<vmem>>) dst(%dma_wait3A_126 : memref<10240x64xf32, #tpu.memory_space<vmem_shared>>)
    %dma_wait3A_127 = arith.constant 78 : i32
    %dma_wait3A_128 = arith.constant 0 : i32
    %dma_wait3A_129 = tpu.memref_slice %arg8[%dma_wait3A_127, %dma_wait3A_128] : memref<80x128xi32, #tpu.memory_space<vmem>> -> memref<1x128xi32, #tpu.memory_space<vmem>>
    %dma_wait3A_130 = tpu.memref_squeeze %dma_wait3A_129 : memref<1x128xi32, #tpu.memory_space<vmem>> -> memref<128xi32, #tpu.memory_space<vmem>>
    %dma_wait3A_131 = arith.constant 0 : i32
    %dma_wait3A_132 = arith.constant 0 : i32
    %dma_wait3A_133 = tpu.memref_slice %arg14[%dma_wait3A_131, %dma_wait3A_132] : memref<10240x64xf32, #tpu.memory_space<vmem_shared>> -> memref<10240x64xf32, #tpu.memory_space<vmem_shared>>
    tpu.wait_indirect_dma semaphore(%arg21 : memref<!tpu.dma_semaphore, #tpu.memory_space<semaphore_mem>>) src(%arg11 : memref<128x64xf32, #tpu.memory_space<vmem>>) dst(%dma_wait3A_133 : memref<10240x64xf32, #tpu.memory_space<vmem_shared>>)
    %dma_wait3A_134 = arith.constant 79 : i32
    %dma_wait3A_135 = arith.constant 0 : i32
    %dma_wait3A_136 = tpu.memref_slice %arg8[%dma_wait3A_134, %dma_wait3A_135] : memref<80x128xi32, #tpu.memory_space<vmem>> -> memref<1x128xi32, #tpu.memory_space<vmem>>
    %dma_wait3A_137 = tpu.memref_squeeze %dma_wait3A_136 : memref<1x128xi32, #tpu.memory_space<vmem>> -> memref<128xi32, #tpu.memory_space<vmem>>
    %dma_wait3A_138 = arith.constant 0 : i32
    %dma_wait3A_139 = arith.constant 0 : i32
    %dma_wait3A_140 = tpu.memref_slice %arg14[%dma_wait3A_138, %dma_wait3A_139] : memref<10240x64xf32, #tpu.memory_space<vmem_shared>> -> memref<10240x64xf32, #tpu.memory_space<vmem_shared>>
    tpu.wait_indirect_dma semaphore(%arg22 : memref<!tpu.dma_semaphore, #tpu.memory_space<semaphore_mem>>) src(%arg12 : memref<128x64xf32, #tpu.memory_space<vmem>>) dst(%dma_wait3A_140 : memref<10240x64xf32, #tpu.memory_space<vmem_shared>>)
    %barrier3A_141 = arith.constant 0 : index
    tpu.barrier barrier_id(%barrier3A_141)
    %mul3A_142 = arith.constant 640 : i32
    %mul3A_143 = arith.muli %arg1, %mul3A_142 : i32
    %mul3A_144 = arith.constant 640 : i32
    %mul3A_145 = arith.muli %arg1, %mul3A_144 : i32
    %run_scoped3A = arith.constant 0 : i32
    "tpu.region"() ({
      %run_scoped3A_292 = tpu.sem_alloc : memref<!tpu.dma_semaphore, #tpu.memory_space<semaphore_mem>>
      %dma_start3A_293 = arith.constant 0 : i32
      %dma_start3A_294 = tpu.memref_slice %arg6[%arg0, %run_scoped3A, %mul3A_145, %dma_start3A_293] : memref<2x2x10240x64xf32, #tpu.memory_space<hbm>> -> memref<1x1x640x64xf32, #tpu.memory_space<hbm>>
      %dma_start3A_295 = tpu.memref_squeeze %dma_start3A_294 : memref<1x1x640x64xf32, #tpu.memory_space<hbm>> -> memref<640x64xf32, #tpu.memory_space<hbm>>
      %dma_start3A_296 = arith.constant 0 : i32
      %dma_start3A_297 = tpu.memref_slice %arg14[%mul3A_143, %dma_start3A_296] : memref<10240x64xf32, #tpu.memory_space<vmem_shared>> -> memref<640x64xf32, #tpu.memory_space<vmem_shared>>
      tpu.enqueue_dma source(%dma_start3A_297 : memref<640x64xf32, #tpu.memory_space<vmem_shared>>) target(%dma_start3A_295 : memref<640x64xf32, #tpu.memory_space<hbm>>) target_semaphore(%run_scoped3A_292 : memref<!tpu.dma_semaphore, #tpu.memory_space<semaphore_mem>>)
      %dma_wait3A_298 = arith.constant 0 : i32
      %dma_wait3A_299 = tpu.memref_slice %arg6[%arg0, %run_scoped3A, %mul3A_145, %dma_wait3A_298] : memref<2x2x10240x64xf32, #tpu.memory_space<hbm>> -> memref<1x1x640x64xf32, #tpu.memory_space<hbm>>
      %dma_wait3A_300 = tpu.memref_squeeze %dma_wait3A_299 : memref<1x1x640x64xf32, #tpu.memory_space<hbm>> -> memref<640x64xf32, #tpu.memory_space<hbm>>
      %dma_wait3A_301 = arith.constant 0 : i32
      %dma_wait3A_302 = tpu.memref_slice %arg14[%mul3A_143, %dma_wait3A_301] : memref<10240x64xf32, #tpu.memory_space<vmem_shared>> -> memref<640x64xf32, #tpu.memory_space<vmem_shared>>
      tpu.wait_dma2 semaphore(%run_scoped3A_292 : memref<!tpu.dma_semaphore, #tpu.memory_space<semaphore_mem>>) src(%dma_wait3A_302 : memref<640x64xf32, #tpu.memory_space<vmem_shared>>) dst(%dma_wait3A_300 : memref<640x64xf32, #tpu.memory_space<hbm>>)
      tpu.yield
    }) : () -> ()
    %barrier3A_146 = arith.constant 0 : index
    tpu.barrier barrier_id(%barrier3A_146)
    %mul3A_147 = arith.constant 640 : i32
    %mul3A_148 = arith.muli %arg1, %mul3A_147 : i32
    %add3A_149 = arith.constant 0 : i32
    %add3A_150 = arith.addi %mul3A_148, %add3A_149 : i32
    "tpu.region"() ({
      %run_scoped3A_292 = tpu.sem_alloc : memref<!tpu.dma_semaphore, #tpu.memory_space<semaphore_mem>>
      %dma_start3A_293 = arith.constant 0 : i32
      %dma_start3A_294 = tpu.memref_slice %arg14[%add3A_150, %dma_start3A_293] : memref<10240x64xf32, #tpu.memory_space<vmem_shared>> -> memref<128x64xf32, #tpu.memory_space<vmem_shared>>
      %dma_start3A_295 = arith.constant 0 : i32
      %dma_start3A_296 = tpu.memref_slice %arg14[%add3A_150, %dma_start3A_295] : memref<10240x64xf32, #tpu.memory_space<vmem_shared>> -> memref<128x64xf32, #tpu.memory_space<vmem_shared>>
      tpu.enqueue_dma source(%arg13 : memref<128x64xf32, #tpu.memory_space<vmem>>) target(%dma_start3A_296 : memref<128x64xf32, #tpu.memory_space<vmem_shared>>) target_semaphore(%run_scoped3A_292 : memref<!tpu.dma_semaphore, #tpu.memory_space<semaphore_mem>>)
      %dma_wait3A_297 = arith.constant 0 : i32
      %dma_wait3A_298 = tpu.memref_slice %arg14[%add3A_150, %dma_wait3A_297] : memref<10240x64xf32, #tpu.memory_space<vmem_shared>> -> memref<128x64xf32, #tpu.memory_space<vmem_shared>>
      %dma_wait3A_299 = arith.constant 0 : i32
      %dma_wait3A_300 = tpu.memref_slice %arg14[%add3A_150, %dma_wait3A_299] : memref<10240x64xf32, #tpu.memory_space<vmem_shared>> -> memref<128x64xf32, #tpu.memory_space<vmem_shared>>
      tpu.wait_dma2 semaphore(%run_scoped3A_292 : memref<!tpu.dma_semaphore, #tpu.memory_space<semaphore_mem>>) src(%arg13 : memref<128x64xf32, #tpu.memory_space<vmem>>) dst(%dma_wait3A_300 : memref<128x64xf32, #tpu.memory_space<vmem_shared>>)
      tpu.yield
    }) : () -> ()
    %mul3A_151 = arith.constant 640 : i32
    %mul3A_152 = arith.muli %arg1, %mul3A_151 : i32
    %add3A_153 = arith.constant 128 : i32
    %add3A_154 = arith.addi %mul3A_152, %add3A_153 : i32
    "tpu.region"() ({
      %run_scoped3A_292 = tpu.sem_alloc : memref<!tpu.dma_semaphore, #tpu.memory_space<semaphore_mem>>
      %dma_start3A_293 = arith.constant 0 : i32
      %dma_start3A_294 = tpu.memref_slice %arg14[%add3A_154, %dma_start3A_293] : memref<10240x64xf32, #tpu.memory_space<vmem_shared>> -> memref<128x64xf32, #tpu.memory_space<vmem_shared>>
      %dma_start3A_295 = arith.constant 0 : i32
      %dma_start3A_296 = tpu.memref_slice %arg14[%add3A_154, %dma_start3A_295] : memref<10240x64xf32, #tpu.memory_space<vmem_shared>> -> memref<128x64xf32, #tpu.memory_space<vmem_shared>>
      tpu.enqueue_dma source(%arg13 : memref<128x64xf32, #tpu.memory_space<vmem>>) target(%dma_start3A_296 : memref<128x64xf32, #tpu.memory_space<vmem_shared>>) target_semaphore(%run_scoped3A_292 : memref<!tpu.dma_semaphore, #tpu.memory_space<semaphore_mem>>)
      %dma_wait3A_297 = arith.constant 0 : i32
      %dma_wait3A_298 = tpu.memref_slice %arg14[%add3A_154, %dma_wait3A_297] : memref<10240x64xf32, #tpu.memory_space<vmem_shared>> -> memref<128x64xf32, #tpu.memory_space<vmem_shared>>
      %dma_wait3A_299 = arith.constant 0 : i32
      %dma_wait3A_300 = tpu.memref_slice %arg14[%add3A_154, %dma_wait3A_299] : memref<10240x64xf32, #tpu.memory_space<vmem_shared>> -> memref<128x64xf32, #tpu.memory_space<vmem_shared>>
      tpu.wait_dma2 semaphore(%run_scoped3A_292 : memref<!tpu.dma_semaphore, #tpu.memory_space<semaphore_mem>>) src(%arg13 : memref<128x64xf32, #tpu.memory_space<vmem>>) dst(%dma_wait3A_300 : memref<128x64xf32, #tpu.memory_space<vmem_shared>>)
      tpu.yield
    }) : () -> ()
    %mul3A_155 = arith.constant 640 : i32
    %mul3A_156 = arith.muli %arg1, %mul3A_155 : i32
    %add3A_157 = arith.constant 256 : i32
    %add3A_158 = arith.addi %mul3A_156, %add3A_157 : i32
    "tpu.region"() ({
      %run_scoped3A_292 = tpu.sem_alloc : memref<!tpu.dma_semaphore, #tpu.memory_space<semaphore_mem>>
      %dma_start3A_293 = arith.constant 0 : i32
      %dma_start3A_294 = tpu.memref_slice %arg14[%add3A_158, %dma_start3A_293] : memref<10240x64xf32, #tpu.memory_space<vmem_shared>> -> memref<128x64xf32, #tpu.memory_space<vmem_shared>>
      %dma_start3A_295 = arith.constant 0 : i32
      %dma_start3A_296 = tpu.memref_slice %arg14[%add3A_158, %dma_start3A_295] : memref<10240x64xf32, #tpu.memory_space<vmem_shared>> -> memref<128x64xf32, #tpu.memory_space<vmem_shared>>
      tpu.enqueue_dma source(%arg13 : memref<128x64xf32, #tpu.memory_space<vmem>>) target(%dma_start3A_296 : memref<128x64xf32, #tpu.memory_space<vmem_shared>>) target_semaphore(%run_scoped3A_292 : memref<!tpu.dma_semaphore, #tpu.memory_space<semaphore_mem>>)
      %dma_wait3A_297 = arith.constant 0 : i32
      %dma_wait3A_298 = tpu.memref_slice %arg14[%add3A_158, %dma_wait3A_297] : memref<10240x64xf32, #tpu.memory_space<vmem_shared>> -> memref<128x64xf32, #tpu.memory_space<vmem_shared>>
      %dma_wait3A_299 = arith.constant 0 : i32
      %dma_wait3A_300 = tpu.memref_slice %arg14[%add3A_158, %dma_wait3A_299] : memref<10240x64xf32, #tpu.memory_space<vmem_shared>> -> memref<128x64xf32, #tpu.memory_space<vmem_shared>>
      tpu.wait_dma2 semaphore(%run_scoped3A_292 : memref<!tpu.dma_semaphore, #tpu.memory_space<semaphore_mem>>) src(%arg13 : memref<128x64xf32, #tpu.memory_space<vmem>>) dst(%dma_wait3A_300 : memref<128x64xf32, #tpu.memory_space<vmem_shared>>)
      tpu.yield
    }) : () -> ()
    %mul3A_159 = arith.constant 640 : i32
    %mul3A_160 = arith.muli %arg1, %mul3A_159 : i32
    %add3A_161 = arith.constant 384 : i32
    %add3A_162 = arith.addi %mul3A_160, %add3A_161 : i32
    "tpu.region"() ({
      %run_scoped3A_292 = tpu.sem_alloc : memref<!tpu.dma_semaphore, #tpu.memory_space<semaphore_mem>>
      %dma_start3A_293 = arith.constant 0 : i32
      %dma_start3A_294 = tpu.memref_slice %arg14[%add3A_162, %dma_start3A_293] : memref<10240x64xf32, #tpu.memory_space<vmem_shared>> -> memref<128x64xf32, #tpu.memory_space<vmem_shared>>
      %dma_start3A_295 = arith.constant 0 : i32
      %dma_start3A_296 = tpu.memref_slice %arg14[%add3A_162, %dma_start3A_295] : memref<10240x64xf32, #tpu.memory_space<vmem_shared>> -> memref<128x64xf32, #tpu.memory_space<vmem_shared>>
      tpu.enqueue_dma source(%arg13 : memref<128x64xf32, #tpu.memory_space<vmem>>) target(%dma_start3A_296 : memref<128x64xf32, #tpu.memory_space<vmem_shared>>) target_semaphore(%run_scoped3A_292 : memref<!tpu.dma_semaphore, #tpu.memory_space<semaphore_mem>>)
      %dma_wait3A_297 = arith.constant 0 : i32
      %dma_wait3A_298 = tpu.memref_slice %arg14[%add3A_162, %dma_wait3A_297] : memref<10240x64xf32, #tpu.memory_space<vmem_shared>> -> memref<128x64xf32, #tpu.memory_space<vmem_shared>>
      %dma_wait3A_299 = arith.constant 0 : i32
      %dma_wait3A_300 = tpu.memref_slice %arg14[%add3A_162, %dma_wait3A_299] : memref<10240x64xf32, #tpu.memory_space<vmem_shared>> -> memref<128x64xf32, #tpu.memory_space<vmem_shared>>
      tpu.wait_dma2 semaphore(%run_scoped3A_292 : memref<!tpu.dma_semaphore, #tpu.memory_space<semaphore_mem>>) src(%arg13 : memref<128x64xf32, #tpu.memory_space<vmem>>) dst(%dma_wait3A_300 : memref<128x64xf32, #tpu.memory_space<vmem_shared>>)
      tpu.yield
    }) : () -> ()
    %mul3A_163 = arith.constant 640 : i32
    %mul3A_164 = arith.muli %arg1, %mul3A_163 : i32
    %add3A_165 = arith.constant 512 : i32
    %add3A_166 = arith.addi %mul3A_164, %add3A_165 : i32
    "tpu.region"() ({
      %run_scoped3A_292 = tpu.sem_alloc : memref<!tpu.dma_semaphore, #tpu.memory_space<semaphore_mem>>
      %dma_start3A_293 = arith.constant 0 : i32
      %dma_start3A_294 = tpu.memref_slice %arg14[%add3A_166, %dma_start3A_293] : memref<10240x64xf32, #tpu.memory_space<vmem_shared>> -> memref<128x64xf32, #tpu.memory_space<vmem_shared>>
      %dma_start3A_295 = arith.constant 0 : i32
      %dma_start3A_296 = tpu.memref_slice %arg14[%add3A_166, %dma_start3A_295] : memref<10240x64xf32, #tpu.memory_space<vmem_shared>> -> memref<128x64xf32, #tpu.memory_space<vmem_shared>>
      tpu.enqueue_dma source(%arg13 : memref<128x64xf32, #tpu.memory_space<vmem>>) target(%dma_start3A_296 : memref<128x64xf32, #tpu.memory_space<vmem_shared>>) target_semaphore(%run_scoped3A_292 : memref<!tpu.dma_semaphore, #tpu.memory_space<semaphore_mem>>)
      %dma_wait3A_297 = arith.constant 0 : i32
      %dma_wait3A_298 = tpu.memref_slice %arg14[%add3A_166, %dma_wait3A_297] : memref<10240x64xf32, #tpu.memory_space<vmem_shared>> -> memref<128x64xf32, #tpu.memory_space<vmem_shared>>
      %dma_wait3A_299 = arith.constant 0 : i32
      %dma_wait3A_300 = tpu.memref_slice %arg14[%add3A_166, %dma_wait3A_299] : memref<10240x64xf32, #tpu.memory_space<vmem_shared>> -> memref<128x64xf32, #tpu.memory_space<vmem_shared>>
      tpu.wait_dma2 semaphore(%run_scoped3A_292 : memref<!tpu.dma_semaphore, #tpu.memory_space<semaphore_mem>>) src(%arg13 : memref<128x64xf32, #tpu.memory_space<vmem>>) dst(%dma_wait3A_300 : memref<128x64xf32, #tpu.memory_space<vmem_shared>>)
      tpu.yield
    }) : () -> ()
    %barrier3A_167 = arith.constant 0 : index
    tpu.barrier barrier_id(%barrier3A_167)
    %dma_start3A_168 = arith.constant 0 : i32
    %dma_start3A_169 = arith.constant 0 : i32
    %dma_start3A_170 = tpu.memref_slice %arg7[%dma_start3A_168, %dma_start3A_169] : memref<80x128xi32, #tpu.memory_space<vmem>> -> memref<1x128xi32, #tpu.memory_space<vmem>>
    %dma_start3A_171 = tpu.memref_squeeze %dma_start3A_170 : memref<1x128xi32, #tpu.memory_space<vmem>> -> memref<128xi32, #tpu.memory_space<vmem>>
    %dma_start3A_172 = arith.constant 0 : i32
    %dma_start3A_173 = arith.constant 0 : i32
    %dma_start3A_174 = tpu.memref_slice %arg3[%dma_start3A_172, %dma_start3A_173] : memref<10000x64xf32, #tpu.memory_space<hbm>> -> memref<10000x64xf32, #tpu.memory_space<hbm>>
    tpu.enqueue_indirect_dma source(%dma_start3A_174 : memref<10000x64xf32, #tpu.memory_space<hbm>>) target(%arg9 : memref<128x64xf32, #tpu.memory_space<vmem>>) offsets(%dma_start3A_171 : memref<128xi32, #tpu.memory_space<vmem>>) semaphore(%arg15 : memref<!tpu.dma_semaphore, #tpu.memory_space<semaphore_mem>>)
    %dma_start3A_175 = arith.constant 1 : i32
    %dma_start3A_176 = arith.constant 0 : i32
    %dma_start3A_177 = tpu.memref_slice %arg7[%dma_start3A_175, %dma_start3A_176] : memref<80x128xi32, #tpu.memory_space<vmem>> -> memref<1x128xi32, #tpu.memory_space<vmem>>
    %dma_start3A_178 = tpu.memref_squeeze %dma_start3A_177 : memref<1x128xi32, #tpu.memory_space<vmem>> -> memref<128xi32, #tpu.memory_space<vmem>>
    %dma_start3A_179 = arith.constant 0 : i32
    %dma_start3A_180 = arith.constant 0 : i32
    %dma_start3A_181 = tpu.memref_slice %arg3[%dma_start3A_179, %dma_start3A_180] : memref<10000x64xf32, #tpu.memory_space<hbm>> -> memref<10000x64xf32, #tpu.memory_space<hbm>>
    tpu.enqueue_indirect_dma source(%dma_start3A_181 : memref<10000x64xf32, #tpu.memory_space<hbm>>) target(%arg10 : memref<128x64xf32, #tpu.memory_space<vmem>>) offsets(%dma_start3A_178 : memref<128xi32, #tpu.memory_space<vmem>>) semaphore(%arg16 : memref<!tpu.dma_semaphore, #tpu.memory_space<semaphore_mem>>)
    %dma_start3A_182 = arith.constant 2 : i32
    %dma_start3A_183 = arith.constant 0 : i32
    %dma_start3A_184 = tpu.memref_slice %arg7[%dma_start3A_182, %dma_start3A_183] : memref<80x128xi32, #tpu.memory_space<vmem>> -> memref<1x128xi32, #tpu.memory_space<vmem>>
    %dma_start3A_185 = tpu.memref_squeeze %dma_start3A_184 : memref<1x128xi32, #tpu.memory_space<vmem>> -> memref<128xi32, #tpu.memory_space<vmem>>
    %dma_start3A_186 = arith.constant 0 : i32
    %dma_start3A_187 = arith.constant 0 : i32
    %dma_start3A_188 = tpu.memref_slice %arg3[%dma_start3A_186, %dma_start3A_187] : memref<10000x64xf32, #tpu.memory_space<hbm>> -> memref<10000x64xf32, #tpu.memory_space<hbm>>
    tpu.enqueue_indirect_dma source(%dma_start3A_188 : memref<10000x64xf32, #tpu.memory_space<hbm>>) target(%arg11 : memref<128x64xf32, #tpu.memory_space<vmem>>) offsets(%dma_start3A_185 : memref<128xi32, #tpu.memory_space<vmem>>) semaphore(%arg17 : memref<!tpu.dma_semaphore, #tpu.memory_space<semaphore_mem>>)
    %dma_start3A_189 = arith.constant 3 : i32
    %dma_start3A_190 = arith.constant 0 : i32
    %dma_start3A_191 = tpu.memref_slice %arg7[%dma_start3A_189, %dma_start3A_190] : memref<80x128xi32, #tpu.memory_space<vmem>> -> memref<1x128xi32, #tpu.memory_space<vmem>>
    %dma_start3A_192 = tpu.memref_squeeze %dma_start3A_191 : memref<1x128xi32, #tpu.memory_space<vmem>> -> memref<128xi32, #tpu.memory_space<vmem>>
    %dma_start3A_193 = arith.constant 0 : i32
    %dma_start3A_194 = arith.constant 0 : i32
    %dma_start3A_195 = tpu.memref_slice %arg3[%dma_start3A_193, %dma_start3A_194] : memref<10000x64xf32, #tpu.memory_space<hbm>> -> memref<10000x64xf32, #tpu.memory_space<hbm>>
    tpu.enqueue_indirect_dma source(%dma_start3A_195 : memref<10000x64xf32, #tpu.memory_space<hbm>>) target(%arg12 : memref<128x64xf32, #tpu.memory_space<vmem>>) offsets(%dma_start3A_192 : memref<128xi32, #tpu.memory_space<vmem>>) semaphore(%arg18 : memref<!tpu.dma_semaphore, #tpu.memory_space<semaphore_mem>>)
    %scan3A_196 = arith.constant 0 : i32
    %scan3A_197 = arith.constant 19 : i32
    %scan3A_198 = arith.addi %scan3A_196, %scan3A_197 : i32
    %scan3A_199 = arith.constant 1 : i32
    scf.for %scan3A_292 = %scan3A_196 to %scan3A_198 step %scan3A_199  : i32 {
      %mul3A_293 = arith.constant 1 : i32
      %mul3A_294 = arith.muli %scan3A_292, %mul3A_293 : i32
      %add3A_295 = arith.constant 0 : i32
      %add3A_296 = arith.addi %add3A_295, %mul3A_294 : i32
      %mul3A_297 = arith.constant 4 : i32
      %mul3A_298 = arith.muli %mul3A_297, %add3A_296 : i32
      %add3A_299 = arith.constant 0 : i32
      %add3A_300 = arith.addi %mul3A_298, %add3A_299 : i32
      %dma_wait3A_301 = arith.constant 0 : i32
      %dma_wait3A_302 = tpu.memref_slice %arg7[%add3A_300, %dma_wait3A_301] : memref<80x128xi32, #tpu.memory_space<vmem>> -> memref<1x128xi32, #tpu.memory_space<vmem>>
      %dma_wait3A_303 = tpu.memref_squeeze %dma_wait3A_302 : memref<1x128xi32, #tpu.memory_space<vmem>> -> memref<128xi32, #tpu.memory_space<vmem>>
      %dma_wait3A_304 = arith.constant 0 : i32
      %dma_wait3A_305 = arith.constant 0 : i32
      %dma_wait3A_306 = tpu.memref_slice %arg3[%dma_wait3A_304, %dma_wait3A_305] : memref<10000x64xf32, #tpu.memory_space<hbm>> -> memref<10000x64xf32, #tpu.memory_space<hbm>>
      tpu.wait_indirect_dma semaphore(%arg15 : memref<!tpu.dma_semaphore, #tpu.memory_space<semaphore_mem>>) src(%dma_wait3A_306 : memref<10000x64xf32, #tpu.memory_space<hbm>>) dst(%arg9 : memref<128x64xf32, #tpu.memory_space<vmem>>)
      %add3A_307 = arith.constant 0 : i32
      %add3A_308 = arith.addi %mul3A_298, %add3A_307 : i32
      %dma_start3A_309 = arith.constant 0 : i32
      %dma_start3A_310 = tpu.memref_slice %arg8[%add3A_308, %dma_start3A_309] : memref<80x128xi32, #tpu.memory_space<vmem>> -> memref<1x128xi32, #tpu.memory_space<vmem>>
      %dma_start3A_311 = tpu.memref_squeeze %dma_start3A_310 : memref<1x128xi32, #tpu.memory_space<vmem>> -> memref<128xi32, #tpu.memory_space<vmem>>
      %dma_start3A_312 = arith.constant 0 : i32
      %dma_start3A_313 = arith.constant 0 : i32
      %dma_start3A_314 = tpu.memref_slice %arg14[%dma_start3A_312, %dma_start3A_313] : memref<10240x64xf32, #tpu.memory_space<vmem_shared>> -> memref<10240x64xf32, #tpu.memory_space<vmem_shared>>
      tpu.enqueue_indirect_dma source(%arg9 : memref<128x64xf32, #tpu.memory_space<vmem>>) target(%dma_start3A_314 : memref<10240x64xf32, #tpu.memory_space<vmem_shared>>) offsets(%dma_start3A_311 : memref<128xi32, #tpu.memory_space<vmem>>) semaphore(%arg19 : memref<!tpu.dma_semaphore, #tpu.memory_space<semaphore_mem>>) {add = true}
      %add3A_315 = arith.constant 1 : i32
      %add3A_316 = arith.addi %mul3A_298, %add3A_315 : i32
      %dma_wait3A_317 = arith.constant 0 : i32
      %dma_wait3A_318 = tpu.memref_slice %arg7[%add3A_316, %dma_wait3A_317] : memref<80x128xi32, #tpu.memory_space<vmem>> -> memref<1x128xi32, #tpu.memory_space<vmem>>
      %dma_wait3A_319 = tpu.memref_squeeze %dma_wait3A_318 : memref<1x128xi32, #tpu.memory_space<vmem>> -> memref<128xi32, #tpu.memory_space<vmem>>
      %dma_wait3A_320 = arith.constant 0 : i32
      %dma_wait3A_321 = arith.constant 0 : i32
      %dma_wait3A_322 = tpu.memref_slice %arg3[%dma_wait3A_320, %dma_wait3A_321] : memref<10000x64xf32, #tpu.memory_space<hbm>> -> memref<10000x64xf32, #tpu.memory_space<hbm>>
      tpu.wait_indirect_dma semaphore(%arg16 : memref<!tpu.dma_semaphore, #tpu.memory_space<semaphore_mem>>) src(%dma_wait3A_322 : memref<10000x64xf32, #tpu.memory_space<hbm>>) dst(%arg10 : memref<128x64xf32, #tpu.memory_space<vmem>>)
      %add3A_323 = arith.constant 1 : i32
      %add3A_324 = arith.addi %mul3A_298, %add3A_323 : i32
      %dma_start3A_325 = arith.constant 0 : i32
      %dma_start3A_326 = tpu.memref_slice %arg8[%add3A_324, %dma_start3A_325] : memref<80x128xi32, #tpu.memory_space<vmem>> -> memref<1x128xi32, #tpu.memory_space<vmem>>
      %dma_start3A_327 = tpu.memref_squeeze %dma_start3A_326 : memref<1x128xi32, #tpu.memory_space<vmem>> -> memref<128xi32, #tpu.memory_space<vmem>>
      %dma_start3A_328 = arith.constant 0 : i32
      %dma_start3A_329 = arith.constant 0 : i32
      %dma_start3A_330 = tpu.memref_slice %arg14[%dma_start3A_328, %dma_start3A_329] : memref<10240x64xf32, #tpu.memory_space<vmem_shared>> -> memref<10240x64xf32, #tpu.memory_space<vmem_shared>>
      tpu.enqueue_indirect_dma source(%arg10 : memref<128x64xf32, #tpu.memory_space<vmem>>) target(%dma_start3A_330 : memref<10240x64xf32, #tpu.memory_space<vmem_shared>>) offsets(%dma_start3A_327 : memref<128xi32, #tpu.memory_space<vmem>>) semaphore(%arg20 : memref<!tpu.dma_semaphore, #tpu.memory_space<semaphore_mem>>) {add = true}
      %add3A_331 = arith.constant 2 : i32
      %add3A_332 = arith.addi %mul3A_298, %add3A_331 : i32
      %dma_wait3A_333 = arith.constant 0 : i32
      %dma_wait3A_334 = tpu.memref_slice %arg7[%add3A_332, %dma_wait3A_333] : memref<80x128xi32, #tpu.memory_space<vmem>> -> memref<1x128xi32, #tpu.memory_space<vmem>>
      %dma_wait3A_335 = tpu.memref_squeeze %dma_wait3A_334 : memref<1x128xi32, #tpu.memory_space<vmem>> -> memref<128xi32, #tpu.memory_space<vmem>>
      %dma_wait3A_336 = arith.constant 0 : i32
      %dma_wait3A_337 = arith.constant 0 : i32
      %dma_wait3A_338 = tpu.memref_slice %arg3[%dma_wait3A_336, %dma_wait3A_337] : memref<10000x64xf32, #tpu.memory_space<hbm>> -> memref<10000x64xf32, #tpu.memory_space<hbm>>
      tpu.wait_indirect_dma semaphore(%arg17 : memref<!tpu.dma_semaphore, #tpu.memory_space<semaphore_mem>>) src(%dma_wait3A_338 : memref<10000x64xf32, #tpu.memory_space<hbm>>) dst(%arg11 : memref<128x64xf32, #tpu.memory_space<vmem>>)
      %add3A_339 = arith.constant 2 : i32
      %add3A_340 = arith.addi %mul3A_298, %add3A_339 : i32
      %dma_start3A_341 = arith.constant 0 : i32
      %dma_start3A_342 = tpu.memref_slice %arg8[%add3A_340, %dma_start3A_341] : memref<80x128xi32, #tpu.memory_space<vmem>> -> memref<1x128xi32, #tpu.memory_space<vmem>>
      %dma_start3A_343 = tpu.memref_squeeze %dma_start3A_342 : memref<1x128xi32, #tpu.memory_space<vmem>> -> memref<128xi32, #tpu.memory_space<vmem>>
      %dma_start3A_344 = arith.constant 0 : i32
      %dma_start3A_345 = arith.constant 0 : i32
      %dma_start3A_346 = tpu.memref_slice %arg14[%dma_start3A_344, %dma_start3A_345] : memref<10240x64xf32, #tpu.memory_space<vmem_shared>> -> memref<10240x64xf32, #tpu.memory_space<vmem_shared>>
      tpu.enqueue_indirect_dma source(%arg11 : memref<128x64xf32, #tpu.memory_space<vmem>>) target(%dma_start3A_346 : memref<10240x64xf32, #tpu.memory_space<vmem_shared>>) offsets(%dma_start3A_343 : memref<128xi32, #tpu.memory_space<vmem>>) semaphore(%arg21 : memref<!tpu.dma_semaphore, #tpu.memory_space<semaphore_mem>>) {add = true}
      %add3A_347 = arith.constant 3 : i32
      %add3A_348 = arith.addi %mul3A_298, %add3A_347 : i32
      %dma_wait3A_349 = arith.constant 0 : i32
      %dma_wait3A_350 = tpu.memref_slice %arg7[%add3A_348, %dma_wait3A_349] : memref<80x128xi32, #tpu.memory_space<vmem>> -> memref<1x128xi32, #tpu.memory_space<vmem>>
      %dma_wait3A_351 = tpu.memref_squeeze %dma_wait3A_350 : memref<1x128xi32, #tpu.memory_space<vmem>> -> memref<128xi32, #tpu.memory_space<vmem>>
      %dma_wait3A_352 = arith.constant 0 : i32
      %dma_wait3A_353 = arith.constant 0 : i32
      %dma_wait3A_354 = tpu.memref_slice %arg3[%dma_wait3A_352, %dma_wait3A_353] : memref<10000x64xf32, #tpu.memory_space<hbm>> -> memref<10000x64xf32, #tpu.memory_space<hbm>>
      tpu.wait_indirect_dma semaphore(%arg18 : memref<!tpu.dma_semaphore, #tpu.memory_space<semaphore_mem>>) src(%dma_wait3A_354 : memref<10000x64xf32, #tpu.memory_space<hbm>>) dst(%arg12 : memref<128x64xf32, #tpu.memory_space<vmem>>)
      %add3A_355 = arith.constant 3 : i32
      %add3A_356 = arith.addi %mul3A_298, %add3A_355 : i32
      %dma_start3A_357 = arith.constant 0 : i32
      %dma_start3A_358 = tpu.memref_slice %arg8[%add3A_356, %dma_start3A_357] : memref<80x128xi32, #tpu.memory_space<vmem>> -> memref<1x128xi32, #tpu.memory_space<vmem>>
      %dma_start3A_359 = tpu.memref_squeeze %dma_start3A_358 : memref<1x128xi32, #tpu.memory_space<vmem>> -> memref<128xi32, #tpu.memory_space<vmem>>
      %dma_start3A_360 = arith.constant 0 : i32
      %dma_start3A_361 = arith.constant 0 : i32
      %dma_start3A_362 = tpu.memref_slice %arg14[%dma_start3A_360, %dma_start3A_361] : memref<10240x64xf32, #tpu.memory_space<vmem_shared>> -> memref<10240x64xf32, #tpu.memory_space<vmem_shared>>
      tpu.enqueue_indirect_dma source(%arg12 : memref<128x64xf32, #tpu.memory_space<vmem>>) target(%dma_start3A_362 : memref<10240x64xf32, #tpu.memory_space<vmem_shared>>) offsets(%dma_start3A_359 : memref<128xi32, #tpu.memory_space<vmem>>) semaphore(%arg22 : memref<!tpu.dma_semaphore, #tpu.memory_space<semaphore_mem>>) {add = true}
      %dma_wait3A_363 = arith.constant 0 : i32
      %dma_wait3A_364 = tpu.memref_slice %arg8[%add3A_308, %dma_wait3A_363] : memref<80x128xi32, #tpu.memory_space<vmem>> -> memref<1x128xi32, #tpu.memory_space<vmem>>
      %dma_wait3A_365 = tpu.memref_squeeze %dma_wait3A_364 : memref<1x128xi32, #tpu.memory_space<vmem>> -> memref<128xi32, #tpu.memory_space<vmem>>
      %dma_wait3A_366 = arith.constant 0 : i32
      %dma_wait3A_367 = arith.constant 0 : i32
      %dma_wait3A_368 = tpu.memref_slice %arg14[%dma_wait3A_366, %dma_wait3A_367] : memref<10240x64xf32, #tpu.memory_space<vmem_shared>> -> memref<10240x64xf32, #tpu.memory_space<vmem_shared>>
      tpu.wait_indirect_dma semaphore(%arg19 : memref<!tpu.dma_semaphore, #tpu.memory_space<semaphore_mem>>) src(%arg9 : memref<128x64xf32, #tpu.memory_space<vmem>>) dst(%dma_wait3A_368 : memref<10240x64xf32, #tpu.memory_space<vmem_shared>>)
      %add3A_369 = arith.constant 4 : i32
      %add3A_370 = arith.addi %mul3A_298, %add3A_369 : i32
      %add3A_371 = arith.constant 0 : i32
      %add3A_372 = arith.addi %add3A_370, %add3A_371 : i32
      %dma_start3A_373 = arith.constant 0 : i32
      %dma_start3A_374 = tpu.memref_slice %arg7[%add3A_372, %dma_start3A_373] : memref<80x128xi32, #tpu.memory_space<vmem>> -> memref<1x128xi32, #tpu.memory_space<vmem>>
      %dma_start3A_375 = tpu.memref_squeeze %dma_start3A_374 : memref<1x128xi32, #tpu.memory_space<vmem>> -> memref<128xi32, #tpu.memory_space<vmem>>
      %dma_start3A_376 = arith.constant 0 : i32
      %dma_start3A_377 = arith.constant 0 : i32
      %dma_start3A_378 = tpu.memref_slice %arg3[%dma_start3A_376, %dma_start3A_377] : memref<10000x64xf32, #tpu.memory_space<hbm>> -> memref<10000x64xf32, #tpu.memory_space<hbm>>
      tpu.enqueue_indirect_dma source(%dma_start3A_378 : memref<10000x64xf32, #tpu.memory_space<hbm>>) target(%arg9 : memref<128x64xf32, #tpu.memory_space<vmem>>) offsets(%dma_start3A_375 : memref<128xi32, #tpu.memory_space<vmem>>) semaphore(%arg15 : memref<!tpu.dma_semaphore, #tpu.memory_space<semaphore_mem>>)
      %dma_wait3A_379 = arith.constant 0 : i32
      %dma_wait3A_380 = tpu.memref_slice %arg8[%add3A_324, %dma_wait3A_379] : memref<80x128xi32, #tpu.memory_space<vmem>> -> memref<1x128xi32, #tpu.memory_space<vmem>>
      %dma_wait3A_381 = tpu.memref_squeeze %dma_wait3A_380 : memref<1x128xi32, #tpu.memory_space<vmem>> -> memref<128xi32, #tpu.memory_space<vmem>>
      %dma_wait3A_382 = arith.constant 0 : i32
      %dma_wait3A_383 = arith.constant 0 : i32
      %dma_wait3A_384 = tpu.memref_slice %arg14[%dma_wait3A_382, %dma_wait3A_383] : memref<10240x64xf32, #tpu.memory_space<vmem_shared>> -> memref<10240x64xf32, #tpu.memory_space<vmem_shared>>
      tpu.wait_indirect_dma semaphore(%arg20 : memref<!tpu.dma_semaphore, #tpu.memory_space<semaphore_mem>>) src(%arg10 : memref<128x64xf32, #tpu.memory_space<vmem>>) dst(%dma_wait3A_384 : memref<10240x64xf32, #tpu.memory_space<vmem_shared>>)
      %add3A_385 = arith.constant 4 : i32
      %add3A_386 = arith.addi %mul3A_298, %add3A_385 : i32
      %add3A_387 = arith.constant 1 : i32
      %add3A_388 = arith.addi %add3A_386, %add3A_387 : i32
      %dma_start3A_389 = arith.constant 0 : i32
      %dma_start3A_390 = tpu.memref_slice %arg7[%add3A_388, %dma_start3A_389] : memref<80x128xi32, #tpu.memory_space<vmem>> -> memref<1x128xi32, #tpu.memory_space<vmem>>
      %dma_start3A_391 = tpu.memref_squeeze %dma_start3A_390 : memref<1x128xi32, #tpu.memory_space<vmem>> -> memref<128xi32, #tpu.memory_space<vmem>>
      %dma_start3A_392 = arith.constant 0 : i32
      %dma_start3A_393 = arith.constant 0 : i32
      %dma_start3A_394 = tpu.memref_slice %arg3[%dma_start3A_392, %dma_start3A_393] : memref<10000x64xf32, #tpu.memory_space<hbm>> -> memref<10000x64xf32, #tpu.memory_space<hbm>>
      tpu.enqueue_indirect_dma source(%dma_start3A_394 : memref<10000x64xf32, #tpu.memory_space<hbm>>) target(%arg10 : memref<128x64xf32, #tpu.memory_space<vmem>>) offsets(%dma_start3A_391 : memref<128xi32, #tpu.memory_space<vmem>>) semaphore(%arg16 : memref<!tpu.dma_semaphore, #tpu.memory_space<semaphore_mem>>)
      %dma_wait3A_395 = arith.constant 0 : i32
      %dma_wait3A_396 = tpu.memref_slice %arg8[%add3A_340, %dma_wait3A_395] : memref<80x128xi32, #tpu.memory_space<vmem>> -> memref<1x128xi32, #tpu.memory_space<vmem>>
      %dma_wait3A_397 = tpu.memref_squeeze %dma_wait3A_396 : memref<1x128xi32, #tpu.memory_space<vmem>> -> memref<128xi32, #tpu.memory_space<vmem>>
      %dma_wait3A_398 = arith.constant 0 : i32
      %dma_wait3A_399 = arith.constant 0 : i32
      %dma_wait3A_400 = tpu.memref_slice %arg14[%dma_wait3A_398, %dma_wait3A_399] : memref<10240x64xf32, #tpu.memory_space<vmem_shared>> -> memref<10240x64xf32, #tpu.memory_space<vmem_shared>>
      tpu.wait_indirect_dma semaphore(%arg21 : memref<!tpu.dma_semaphore, #tpu.memory_space<semaphore_mem>>) src(%arg11 : memref<128x64xf32, #tpu.memory_space<vmem>>) dst(%dma_wait3A_400 : memref<10240x64xf32, #tpu.memory_space<vmem_shared>>)
      %add3A_401 = arith.constant 4 : i32
      %add3A_402 = arith.addi %mul3A_298, %add3A_401 : i32
      %add3A_403 = arith.constant 2 : i32
      %add3A_404 = arith.addi %add3A_402, %add3A_403 : i32
      %dma_start3A_405 = arith.constant 0 : i32
      %dma_start3A_406 = tpu.memref_slice %arg7[%add3A_404, %dma_start3A_405] : memref<80x128xi32, #tpu.memory_space<vmem>> -> memref<1x128xi32, #tpu.memory_space<vmem>>
      %dma_start3A_407 = tpu.memref_squeeze %dma_start3A_406 : memref<1x128xi32, #tpu.memory_space<vmem>> -> memref<128xi32, #tpu.memory_space<vmem>>
      %dma_start3A_408 = arith.constant 0 : i32
      %dma_start3A_409 = arith.constant 0 : i32
      %dma_start3A_410 = tpu.memref_slice %arg3[%dma_start3A_408, %dma_start3A_409] : memref<10000x64xf32, #tpu.memory_space<hbm>> -> memref<10000x64xf32, #tpu.memory_space<hbm>>
      tpu.enqueue_indirect_dma source(%dma_start3A_410 : memref<10000x64xf32, #tpu.memory_space<hbm>>) target(%arg11 : memref<128x64xf32, #tpu.memory_space<vmem>>) offsets(%dma_start3A_407 : memref<128xi32, #tpu.memory_space<vmem>>) semaphore(%arg17 : memref<!tpu.dma_semaphore, #tpu.memory_space<semaphore_mem>>)
      %dma_wait3A_411 = arith.constant 0 : i32
      %dma_wait3A_412 = tpu.memref_slice %arg8[%add3A_356, %dma_wait3A_411] : memref<80x128xi32, #tpu.memory_space<vmem>> -> memref<1x128xi32, #tpu.memory_space<vmem>>
      %dma_wait3A_413 = tpu.memref_squeeze %dma_wait3A_412 : memref<1x128xi32, #tpu.memory_space<vmem>> -> memref<128xi32, #tpu.memory_space<vmem>>
      %dma_wait3A_414 = arith.constant 0 : i32
      %dma_wait3A_415 = arith.constant 0 : i32
      %dma_wait3A_416 = tpu.memref_slice %arg14[%dma_wait3A_414, %dma_wait3A_415] : memref<10240x64xf32, #tpu.memory_space<vmem_shared>> -> memref<10240x64xf32, #tpu.memory_space<vmem_shared>>
      tpu.wait_indirect_dma semaphore(%arg22 : memref<!tpu.dma_semaphore, #tpu.memory_space<semaphore_mem>>) src(%arg12 : memref<128x64xf32, #tpu.memory_space<vmem>>) dst(%dma_wait3A_416 : memref<10240x64xf32, #tpu.memory_space<vmem_shared>>)
      %add3A_417 = arith.constant 4 : i32
      %add3A_418 = arith.addi %mul3A_298, %add3A_417 : i32
      %add3A_419 = arith.constant 3 : i32
      %add3A_420 = arith.addi %add3A_418, %add3A_419 : i32
      %dma_start3A_421 = arith.constant 0 : i32
      %dma_start3A_422 = tpu.memref_slice %arg7[%add3A_420, %dma_start3A_421] : memref<80x128xi32, #tpu.memory_space<vmem>> -> memref<1x128xi32, #tpu.memory_space<vmem>>
      %dma_start3A_423 = tpu.memref_squeeze %dma_start3A_422 : memref<1x128xi32, #tpu.memory_space<vmem>> -> memref<128xi32, #tpu.memory_space<vmem>>
      %dma_start3A_424 = arith.constant 0 : i32
      %dma_start3A_425 = arith.constant 0 : i32
      %dma_start3A_426 = tpu.memref_slice %arg3[%dma_start3A_424, %dma_start3A_425] : memref<10000x64xf32, #tpu.memory_space<hbm>> -> memref<10000x64xf32, #tpu.memory_space<hbm>>
      tpu.enqueue_indirect_dma source(%dma_start3A_426 : memref<10000x64xf32, #tpu.memory_space<hbm>>) target(%arg12 : memref<128x64xf32, #tpu.memory_space<vmem>>) offsets(%dma_start3A_423 : memref<128xi32, #tpu.memory_space<vmem>>) semaphore(%arg18 : memref<!tpu.dma_semaphore, #tpu.memory_space<semaphore_mem>>)
    }
    %scan3A_200 = arith.constant 19 : i32
    %dma_wait3A_201 = arith.constant 76 : i32
    %dma_wait3A_202 = arith.constant 0 : i32
    %dma_wait3A_203 = tpu.memref_slice %arg7[%dma_wait3A_201, %dma_wait3A_202] : memref<80x128xi32, #tpu.memory_space<vmem>> -> memref<1x128xi32, #tpu.memory_space<vmem>>
    %dma_wait3A_204 = tpu.memref_squeeze %dma_wait3A_203 : memref<1x128xi32, #tpu.memory_space<vmem>> -> memref<128xi32, #tpu.memory_space<vmem>>
    %dma_wait3A_205 = arith.constant 0 : i32
    %dma_wait3A_206 = arith.constant 0 : i32
    %dma_wait3A_207 = tpu.memref_slice %arg3[%dma_wait3A_205, %dma_wait3A_206] : memref<10000x64xf32, #tpu.memory_space<hbm>> -> memref<10000x64xf32, #tpu.memory_space<hbm>>
    tpu.wait_indirect_dma semaphore(%arg15 : memref<!tpu.dma_semaphore, #tpu.memory_space<semaphore_mem>>) src(%dma_wait3A_207 : memref<10000x64xf32, #tpu.memory_space<hbm>>) dst(%arg9 : memref<128x64xf32, #tpu.memory_space<vmem>>)
    %dma_start3A_208 = arith.constant 76 : i32
    %dma_start3A_209 = arith.constant 0 : i32
    %dma_start3A_210 = tpu.memref_slice %arg8[%dma_start3A_208, %dma_start3A_209] : memref<80x128xi32, #tpu.memory_space<vmem>> -> memref<1x128xi32, #tpu.memory_space<vmem>>
    %dma_start3A_211 = tpu.memref_squeeze %dma_start3A_210 : memref<1x128xi32, #tpu.memory_space<vmem>> -> memref<128xi32, #tpu.memory_space<vmem>>
    %dma_start3A_212 = arith.constant 0 : i32
    %dma_start3A_213 = arith.constant 0 : i32
    %dma_start3A_214 = tpu.memref_slice %arg14[%dma_start3A_212, %dma_start3A_213] : memref<10240x64xf32, #tpu.memory_space<vmem_shared>> -> memref<10240x64xf32, #tpu.memory_space<vmem_shared>>
    tpu.enqueue_indirect_dma source(%arg9 : memref<128x64xf32, #tpu.memory_space<vmem>>) target(%dma_start3A_214 : memref<10240x64xf32, #tpu.memory_space<vmem_shared>>) offsets(%dma_start3A_211 : memref<128xi32, #tpu.memory_space<vmem>>) semaphore(%arg19 : memref<!tpu.dma_semaphore, #tpu.memory_space<semaphore_mem>>) {add = true}
    %dma_wait3A_215 = arith.constant 77 : i32
    %dma_wait3A_216 = arith.constant 0 : i32
    %dma_wait3A_217 = tpu.memref_slice %arg7[%dma_wait3A_215, %dma_wait3A_216] : memref<80x128xi32, #tpu.memory_space<vmem>> -> memref<1x128xi32, #tpu.memory_space<vmem>>
    %dma_wait3A_218 = tpu.memref_squeeze %dma_wait3A_217 : memref<1x128xi32, #tpu.memory_space<vmem>> -> memref<128xi32, #tpu.memory_space<vmem>>
    %dma_wait3A_219 = arith.constant 0 : i32
    %dma_wait3A_220 = arith.constant 0 : i32
    %dma_wait3A_221 = tpu.memref_slice %arg3[%dma_wait3A_219, %dma_wait3A_220] : memref<10000x64xf32, #tpu.memory_space<hbm>> -> memref<10000x64xf32, #tpu.memory_space<hbm>>
    tpu.wait_indirect_dma semaphore(%arg16 : memref<!tpu.dma_semaphore, #tpu.memory_space<semaphore_mem>>) src(%dma_wait3A_221 : memref<10000x64xf32, #tpu.memory_space<hbm>>) dst(%arg10 : memref<128x64xf32, #tpu.memory_space<vmem>>)
    %dma_start3A_222 = arith.constant 77 : i32
    %dma_start3A_223 = arith.constant 0 : i32
    %dma_start3A_224 = tpu.memref_slice %arg8[%dma_start3A_222, %dma_start3A_223] : memref<80x128xi32, #tpu.memory_space<vmem>> -> memref<1x128xi32, #tpu.memory_space<vmem>>
    %dma_start3A_225 = tpu.memref_squeeze %dma_start3A_224 : memref<1x128xi32, #tpu.memory_space<vmem>> -> memref<128xi32, #tpu.memory_space<vmem>>
    %dma_start3A_226 = arith.constant 0 : i32
    %dma_start3A_227 = arith.constant 0 : i32
    %dma_start3A_228 = tpu.memref_slice %arg14[%dma_start3A_226, %dma_start3A_227] : memref<10240x64xf32, #tpu.memory_space<vmem_shared>> -> memref<10240x64xf32, #tpu.memory_space<vmem_shared>>
    tpu.enqueue_indirect_dma source(%arg10 : memref<128x64xf32, #tpu.memory_space<vmem>>) target(%dma_start3A_228 : memref<10240x64xf32, #tpu.memory_space<vmem_shared>>) offsets(%dma_start3A_225 : memref<128xi32, #tpu.memory_space<vmem>>) semaphore(%arg20 : memref<!tpu.dma_semaphore, #tpu.memory_space<semaphore_mem>>) {add = true}
    %dma_wait3A_229 = arith.constant 78 : i32
    %dma_wait3A_230 = arith.constant 0 : i32
    %dma_wait3A_231 = tpu.memref_slice %arg7[%dma_wait3A_229, %dma_wait3A_230] : memref<80x128xi32, #tpu.memory_space<vmem>> -> memref<1x128xi32, #tpu.memory_space<vmem>>
    %dma_wait3A_232 = tpu.memref_squeeze %dma_wait3A_231 : memref<1x128xi32, #tpu.memory_space<vmem>> -> memref<128xi32, #tpu.memory_space<vmem>>
    %dma_wait3A_233 = arith.constant 0 : i32
    %dma_wait3A_234 = arith.constant 0 : i32
    %dma_wait3A_235 = tpu.memref_slice %arg3[%dma_wait3A_233, %dma_wait3A_234] : memref<10000x64xf32, #tpu.memory_space<hbm>> -> memref<10000x64xf32, #tpu.memory_space<hbm>>
    tpu.wait_indirect_dma semaphore(%arg17 : memref<!tpu.dma_semaphore, #tpu.memory_space<semaphore_mem>>) src(%dma_wait3A_235 : memref<10000x64xf32, #tpu.memory_space<hbm>>) dst(%arg11 : memref<128x64xf32, #tpu.memory_space<vmem>>)
    %dma_start3A_236 = arith.constant 78 : i32
    %dma_start3A_237 = arith.constant 0 : i32
    %dma_start3A_238 = tpu.memref_slice %arg8[%dma_start3A_236, %dma_start3A_237] : memref<80x128xi32, #tpu.memory_space<vmem>> -> memref<1x128xi32, #tpu.memory_space<vmem>>
    %dma_start3A_239 = tpu.memref_squeeze %dma_start3A_238 : memref<1x128xi32, #tpu.memory_space<vmem>> -> memref<128xi32, #tpu.memory_space<vmem>>
    %dma_start3A_240 = arith.constant 0 : i32
    %dma_start3A_241 = arith.constant 0 : i32
    %dma_start3A_242 = tpu.memref_slice %arg14[%dma_start3A_240, %dma_start3A_241] : memref<10240x64xf32, #tpu.memory_space<vmem_shared>> -> memref<10240x64xf32, #tpu.memory_space<vmem_shared>>
    tpu.enqueue_indirect_dma source(%arg11 : memref<128x64xf32, #tpu.memory_space<vmem>>) target(%dma_start3A_242 : memref<10240x64xf32, #tpu.memory_space<vmem_shared>>) offsets(%dma_start3A_239 : memref<128xi32, #tpu.memory_space<vmem>>) semaphore(%arg21 : memref<!tpu.dma_semaphore, #tpu.memory_space<semaphore_mem>>) {add = true}
    %dma_wait3A_243 = arith.constant 79 : i32
    %dma_wait3A_244 = arith.constant 0 : i32
    %dma_wait3A_245 = tpu.memref_slice %arg7[%dma_wait3A_243, %dma_wait3A_244] : memref<80x128xi32, #tpu.memory_space<vmem>> -> memref<1x128xi32, #tpu.memory_space<vmem>>
    %dma_wait3A_246 = tpu.memref_squeeze %dma_wait3A_245 : memref<1x128xi32, #tpu.memory_space<vmem>> -> memref<128xi32, #tpu.memory_space<vmem>>
    %dma_wait3A_247 = arith.constant 0 : i32
    %dma_wait3A_248 = arith.constant 0 : i32
    %dma_wait3A_249 = tpu.memref_slice %arg3[%dma_wait3A_247, %dma_wait3A_248] : memref<10000x64xf32, #tpu.memory_space<hbm>> -> memref<10000x64xf32, #tpu.memory_space<hbm>>
    tpu.wait_indirect_dma semaphore(%arg18 : memref<!tpu.dma_semaphore, #tpu.memory_space<semaphore_mem>>) src(%dma_wait3A_249 : memref<10000x64xf32, #tpu.memory_space<hbm>>) dst(%arg12 : memref<128x64xf32, #tpu.memory_space<vmem>>)
    %dma_start3A_250 = arith.constant 79 : i32
    %dma_start3A_251 = arith.constant 0 : i32
    %dma_start3A_252 = tpu.memref_slice %arg8[%dma_start3A_250, %dma_start3A_251] : memref<80x128xi32, #tpu.memory_space<vmem>> -> memref<1x128xi32, #tpu.memory_space<vmem>>
    %dma_start3A_253 = tpu.memref_squeeze %dma_start3A_252 : memref<1x128xi32, #tpu.memory_space<vmem>> -> memref<128xi32, #tpu.memory_space<vmem>>
    %dma_start3A_254 = arith.constant 0 : i32
    %dma_start3A_255 = arith.constant 0 : i32
    %dma_start3A_256 = tpu.memref_slice %arg14[%dma_start3A_254, %dma_start3A_255] : memref<10240x64xf32, #tpu.memory_space<vmem_shared>> -> memref<10240x64xf32, #tpu.memory_space<vmem_shared>>
    tpu.enqueue_indirect_dma source(%arg12 : memref<128x64xf32, #tpu.memory_space<vmem>>) target(%dma_start3A_256 : memref<10240x64xf32, #tpu.memory_space<vmem_shared>>) offsets(%dma_start3A_253 : memref<128xi32, #tpu.memory_space<vmem>>) semaphore(%arg22 : memref<!tpu.dma_semaphore, #tpu.memory_space<semaphore_mem>>) {add = true}
    %dma_wait3A_257 = arith.constant 76 : i32
    %dma_wait3A_258 = arith.constant 0 : i32
    %dma_wait3A_259 = tpu.memref_slice %arg8[%dma_wait3A_257, %dma_wait3A_258] : memref<80x128xi32, #tpu.memory_space<vmem>> -> memref<1x128xi32, #tpu.memory_space<vmem>>
    %dma_wait3A_260 = tpu.memref_squeeze %dma_wait3A_259 : memref<1x128xi32, #tpu.memory_space<vmem>> -> memref<128xi32, #tpu.memory_space<vmem>>
    %dma_wait3A_261 = arith.constant 0 : i32
    %dma_wait3A_262 = arith.constant 0 : i32
    %dma_wait3A_263 = tpu.memref_slice %arg14[%dma_wait3A_261, %dma_wait3A_262] : memref<10240x64xf32, #tpu.memory_space<vmem_shared>> -> memref<10240x64xf32, #tpu.memory_space<vmem_shared>>
    tpu.wait_indirect_dma semaphore(%arg19 : memref<!tpu.dma_semaphore, #tpu.memory_space<semaphore_mem>>) src(%arg9 : memref<128x64xf32, #tpu.memory_space<vmem>>) dst(%dma_wait3A_263 : memref<10240x64xf32, #tpu.memory_space<vmem_shared>>)
    %dma_wait3A_264 = arith.constant 77 : i32
    %dma_wait3A_265 = arith.constant 0 : i32
    %dma_wait3A_266 = tpu.memref_slice %arg8[%dma_wait3A_264, %dma_wait3A_265] : memref<80x128xi32, #tpu.memory_space<vmem>> -> memref<1x128xi32, #tpu.memory_space<vmem>>
    %dma_wait3A_267 = tpu.memref_squeeze %dma_wait3A_266 : memref<1x128xi32, #tpu.memory_space<vmem>> -> memref<128xi32, #tpu.memory_space<vmem>>
    %dma_wait3A_268 = arith.constant 0 : i32
    %dma_wait3A_269 = arith.constant 0 : i32
    %dma_wait3A_270 = tpu.memref_slice %arg14[%dma_wait3A_268, %dma_wait3A_269] : memref<10240x64xf32, #tpu.memory_space<vmem_shared>> -> memref<10240x64xf32, #tpu.memory_space<vmem_shared>>
    tpu.wait_indirect_dma semaphore(%arg20 : memref<!tpu.dma_semaphore, #tpu.memory_space<semaphore_mem>>) src(%arg10 : memref<128x64xf32, #tpu.memory_space<vmem>>) dst(%dma_wait3A_270 : memref<10240x64xf32, #tpu.memory_space<vmem_shared>>)
    %dma_wait3A_271 = arith.constant 78 : i32
    %dma_wait3A_272 = arith.constant 0 : i32
    %dma_wait3A_273 = tpu.memref_slice %arg8[%dma_wait3A_271, %dma_wait3A_272] : memref<80x128xi32, #tpu.memory_space<vmem>> -> memref<1x128xi32, #tpu.memory_space<vmem>>
    %dma_wait3A_274 = tpu.memref_squeeze %dma_wait3A_273 : memref<1x128xi32, #tpu.memory_space<vmem>> -> memref<128xi32, #tpu.memory_space<vmem>>
    %dma_wait3A_275 = arith.constant 0 : i32
    %dma_wait3A_276 = arith.constant 0 : i32
    %dma_wait3A_277 = tpu.memref_slice %arg14[%dma_wait3A_275, %dma_wait3A_276] : memref<10240x64xf32, #tpu.memory_space<vmem_shared>> -> memref<10240x64xf32, #tpu.memory_space<vmem_shared>>
    tpu.wait_indirect_dma semaphore(%arg21 : memref<!tpu.dma_semaphore, #tpu.memory_space<semaphore_mem>>) src(%arg11 : memref<128x64xf32, #tpu.memory_space<vmem>>) dst(%dma_wait3A_277 : memref<10240x64xf32, #tpu.memory_space<vmem_shared>>)
    %dma_wait3A_278 = arith.constant 79 : i32
    %dma_wait3A_279 = arith.constant 0 : i32
    %dma_wait3A_280 = tpu.memref_slice %arg8[%dma_wait3A_278, %dma_wait3A_279] : memref<80x128xi32, #tpu.memory_space<vmem>> -> memref<1x128xi32, #tpu.memory_space<vmem>>
    %dma_wait3A_281 = tpu.memref_squeeze %dma_wait3A_280 : memref<1x128xi32, #tpu.memory_space<vmem>> -> memref<128xi32, #tpu.memory_space<vmem>>
    %dma_wait3A_282 = arith.constant 0 : i32
    %dma_wait3A_283 = arith.constant 0 : i32
    %dma_wait3A_284 = tpu.memref_slice %arg14[%dma_wait3A_282, %dma_wait3A_283] : memref<10240x64xf32, #tpu.memory_space<vmem_shared>> -> memref<10240x64xf32, #tpu.memory_space<vmem_shared>>
    tpu.wait_indirect_dma semaphore(%arg22 : memref<!tpu.dma_semaphore, #tpu.memory_space<semaphore_mem>>) src(%arg12 : memref<128x64xf32, #tpu.memory_space<vmem>>) dst(%dma_wait3A_284 : memref<10240x64xf32, #tpu.memory_space<vmem_shared>>)
    %barrier3A_285 = arith.constant 0 : index
    tpu.barrier barrier_id(%barrier3A_285)
    %mul3A_286 = arith.constant 640 : i32
    %mul3A_287 = arith.muli %arg1, %mul3A_286 : i32
    %mul3A_288 = arith.constant 640 : i32
    %mul3A_289 = arith.muli %arg1, %mul3A_288 : i32
    %run_scoped3A_290 = arith.constant 1 : i32
    "tpu.region"() ({
      %run_scoped3A_292 = tpu.sem_alloc : memref<!tpu.dma_semaphore, #tpu.memory_space<semaphore_mem>>
      %dma_start3A_293 = arith.constant 0 : i32
      %dma_start3A_294 = tpu.memref_slice %arg6[%arg0, %run_scoped3A_290, %mul3A_289, %dma_start3A_293] : memref<2x2x10240x64xf32, #tpu.memory_space<hbm>> -> memref<1x1x640x64xf32, #tpu.memory_space<hbm>>
      %dma_start3A_295 = tpu.memref_squeeze %dma_start3A_294 : memref<1x1x640x64xf32, #tpu.memory_space<hbm>> -> memref<640x64xf32, #tpu.memory_space<hbm>>
      %dma_start3A_296 = arith.constant 0 : i32
      %dma_start3A_297 = tpu.memref_slice %arg14[%mul3A_287, %dma_start3A_296] : memref<10240x64xf32, #tpu.memory_space<vmem_shared>> -> memref<640x64xf32, #tpu.memory_space<vmem_shared>>
      tpu.enqueue_dma source(%dma_start3A_297 : memref<640x64xf32, #tpu.memory_space<vmem_shared>>) target(%dma_start3A_295 : memref<640x64xf32, #tpu.memory_space<hbm>>) target_semaphore(%run_scoped3A_292 : memref<!tpu.dma_semaphore, #tpu.memory_space<semaphore_mem>>)
      %dma_wait3A_298 = arith.constant 0 : i32
      %dma_wait3A_299 = tpu.memref_slice %arg6[%arg0, %run_scoped3A_290, %mul3A_289, %dma_wait3A_298] : memref<2x2x10240x64xf32, #tpu.memory_space<hbm>> -> memref<1x1x640x64xf32, #tpu.memory_space<hbm>>
      %dma_wait3A_300 = tpu.memref_squeeze %dma_wait3A_299 : memref<1x1x640x64xf32, #tpu.memory_space<hbm>> -> memref<640x64xf32, #tpu.memory_space<hbm>>
      %dma_wait3A_301 = arith.constant 0 : i32
      %dma_wait3A_302 = tpu.memref_slice %arg14[%mul3A_287, %dma_wait3A_301] : memref<10240x64xf32, #tpu.memory_space<vmem_shared>> -> memref<640x64xf32, #tpu.memory_space<vmem_shared>>
      tpu.wait_dma2 semaphore(%run_scoped3A_292 : memref<!tpu.dma_semaphore, #tpu.memory_space<semaphore_mem>>) src(%dma_wait3A_302 : memref<640x64xf32, #tpu.memory_space<vmem_shared>>) dst(%dma_wait3A_300 : memref<640x64xf32, #tpu.memory_space<hbm>>)
      tpu.yield
    }) : () -> ()
    %barrier3A_291 = arith.constant 0 : index
    tpu.barrier barrier_id(%barrier3A_291)
    return
  }
}

#map = affine_map<(d0, d1) -> (0, 0, 0)>
module attributes {stable_mosaic.version = 14 : i64} {
  func.func @_sc_degrees(%arg0: i32, %arg1: i32, %arg2: memref<32x125x80xi32, #tpu.memory_space<hbm>>, %arg3: memref<32x125x80xi32, #tpu.memory_space<hbm>>, %arg4: memref<32x2x10000xf32, #tpu.memory_space<hbm>>, %arg5: memref<125x80xi32, #tpu.memory_space<vmem>>, %arg6: memref<125x80xi32, #tpu.memory_space<vmem>>, %arg7: memref<10000xf32, #tpu.memory_space<vmem>>, %arg8: memref<10000xf32, #tpu.memory_space<vmem>>) attributes {dimension_semantics = [#tpu.dimension_semantics<core_parallel>, #tpu.dimension_semantics<subcore_parallel>], iteration_bounds = array<i64: 2, 16>, scalar_prefetch = 0 : i64, scratch_operands = 4 : i64, tpu.core_type = #tpu.core_type<sc_vector_subcore>, window_params = [{transform_indices = #map}, {transform_indices = #map}, {transform_indices = #map}]} {
    %mul3A = arith.constant 2 : i32
    %mul3A_0 = arith.muli %arg1, %mul3A : i32
    %add3A = arith.addi %mul3A_0, %arg0 : i32
    "tpu.region"() ({
      %run_scoped3A_14 = tpu.sem_alloc : memref<!tpu.dma_semaphore, #tpu.memory_space<semaphore_mem>>
      %dma_start3A = arith.constant 0 : i32
      %dma_start3A_15 = arith.constant 0 : i32
      %dma_start3A_16 = tpu.memref_slice %arg2[%add3A, %dma_start3A, %dma_start3A_15] : memref<32x125x80xi32, #tpu.memory_space<hbm>> -> memref<1x125x80xi32, #tpu.memory_space<hbm>>
      %dma_start3A_17 = tpu.memref_squeeze %dma_start3A_16 : memref<1x125x80xi32, #tpu.memory_space<hbm>> -> memref<125x80xi32, #tpu.memory_space<hbm>>
      %dma_start3A_18 = arith.constant 0 : i32
      %dma_start3A_19 = arith.constant 0 : i32
      %dma_start3A_20 = tpu.memref_slice %arg2[%add3A, %dma_start3A_18, %dma_start3A_19] : memref<32x125x80xi32, #tpu.memory_space<hbm>> -> memref<1x125x80xi32, #tpu.memory_space<hbm>>
      %dma_start3A_21 = tpu.memref_squeeze %dma_start3A_20 : memref<1x125x80xi32, #tpu.memory_space<hbm>> -> memref<125x80xi32, #tpu.memory_space<hbm>>
      tpu.enqueue_dma source(%dma_start3A_21 : memref<125x80xi32, #tpu.memory_space<hbm>>) target(%arg5 : memref<125x80xi32, #tpu.memory_space<vmem>>) target_semaphore(%run_scoped3A_14 : memref<!tpu.dma_semaphore, #tpu.memory_space<semaphore_mem>>)
      %dma_wait3A = arith.constant 0 : i32
      %dma_wait3A_22 = arith.constant 0 : i32
      %dma_wait3A_23 = tpu.memref_slice %arg2[%add3A, %dma_wait3A, %dma_wait3A_22] : memref<32x125x80xi32, #tpu.memory_space<hbm>> -> memref<1x125x80xi32, #tpu.memory_space<hbm>>
      %dma_wait3A_24 = tpu.memref_squeeze %dma_wait3A_23 : memref<1x125x80xi32, #tpu.memory_space<hbm>> -> memref<125x80xi32, #tpu.memory_space<hbm>>
      %dma_wait3A_25 = arith.constant 0 : i32
      %dma_wait3A_26 = arith.constant 0 : i32
      %dma_wait3A_27 = tpu.memref_slice %arg2[%add3A, %dma_wait3A_25, %dma_wait3A_26] : memref<32x125x80xi32, #tpu.memory_space<hbm>> -> memref<1x125x80xi32, #tpu.memory_space<hbm>>
      %dma_wait3A_28 = tpu.memref_squeeze %dma_wait3A_27 : memref<1x125x80xi32, #tpu.memory_space<hbm>> -> memref<125x80xi32, #tpu.memory_space<hbm>>
      tpu.wait_dma2 semaphore(%run_scoped3A_14 : memref<!tpu.dma_semaphore, #tpu.memory_space<semaphore_mem>>) src(%dma_wait3A_28 : memref<125x80xi32, #tpu.memory_space<hbm>>) dst(%arg5 : memref<125x80xi32, #tpu.memory_space<vmem>>)
      tpu.yield
    }) : () -> ()
    "tpu.region"() ({
      %run_scoped3A_14 = tpu.sem_alloc : memref<!tpu.dma_semaphore, #tpu.memory_space<semaphore_mem>>
      %dma_start3A = arith.constant 0 : i32
      %dma_start3A_15 = arith.constant 0 : i32
      %dma_start3A_16 = tpu.memref_slice %arg3[%add3A, %dma_start3A, %dma_start3A_15] : memref<32x125x80xi32, #tpu.memory_space<hbm>> -> memref<1x125x80xi32, #tpu.memory_space<hbm>>
      %dma_start3A_17 = tpu.memref_squeeze %dma_start3A_16 : memref<1x125x80xi32, #tpu.memory_space<hbm>> -> memref<125x80xi32, #tpu.memory_space<hbm>>
      %dma_start3A_18 = arith.constant 0 : i32
      %dma_start3A_19 = arith.constant 0 : i32
      %dma_start3A_20 = tpu.memref_slice %arg3[%add3A, %dma_start3A_18, %dma_start3A_19] : memref<32x125x80xi32, #tpu.memory_space<hbm>> -> memref<1x125x80xi32, #tpu.memory_space<hbm>>
      %dma_start3A_21 = tpu.memref_squeeze %dma_start3A_20 : memref<1x125x80xi32, #tpu.memory_space<hbm>> -> memref<125x80xi32, #tpu.memory_space<hbm>>
      tpu.enqueue_dma source(%dma_start3A_21 : memref<125x80xi32, #tpu.memory_space<hbm>>) target(%arg6 : memref<125x80xi32, #tpu.memory_space<vmem>>) target_semaphore(%run_scoped3A_14 : memref<!tpu.dma_semaphore, #tpu.memory_space<semaphore_mem>>)
      %dma_wait3A = arith.constant 0 : i32
      %dma_wait3A_22 = arith.constant 0 : i32
      %dma_wait3A_23 = tpu.memref_slice %arg3[%add3A, %dma_wait3A, %dma_wait3A_22] : memref<32x125x80xi32, #tpu.memory_space<hbm>> -> memref<1x125x80xi32, #tpu.memory_space<hbm>>
      %dma_wait3A_24 = tpu.memref_squeeze %dma_wait3A_23 : memref<1x125x80xi32, #tpu.memory_space<hbm>> -> memref<125x80xi32, #tpu.memory_space<hbm>>
      %dma_wait3A_25 = arith.constant 0 : i32
      %dma_wait3A_26 = arith.constant 0 : i32
      %dma_wait3A_27 = tpu.memref_slice %arg3[%add3A, %dma_wait3A_25, %dma_wait3A_26] : memref<32x125x80xi32, #tpu.memory_space<hbm>> -> memref<1x125x80xi32, #tpu.memory_space<hbm>>
      %dma_wait3A_28 = tpu.memref_squeeze %dma_wait3A_27 : memref<1x125x80xi32, #tpu.memory_space<hbm>> -> memref<125x80xi32, #tpu.memory_space<hbm>>
      tpu.wait_dma2 semaphore(%run_scoped3A_14 : memref<!tpu.dma_semaphore, #tpu.memory_space<semaphore_mem>>) src(%dma_wait3A_28 : memref<125x80xi32, #tpu.memory_space<hbm>>) dst(%arg6 : memref<125x80xi32, #tpu.memory_space<vmem>>)
      tpu.yield
    }) : () -> ()
    %broadcast_in_dim3A = arith.constant 0.000000e+00 : f32
    %broadcast_in_dim3A_1 = vector.broadcast %broadcast_in_dim3A : f32 to vector<16xf32>
    %scan3A = arith.constant 0 : i32
    %scan3A_2 = arith.constant 625 : i32
    %scan3A_3 = arith.addi %scan3A, %scan3A_2 : i32
    %scan3A_4 = arith.constant 1 : i32
    scf.for %scan3A_14 = %scan3A to %scan3A_3 step %scan3A_4  : i32 {
      %mul3A_15 = arith.constant 1 : i32
      %mul3A_16 = arith.muli %scan3A_14, %mul3A_15 : i32
      %add3A_17 = arith.constant 0 : i32
      %add3A_18 = arith.addi %add3A_17, %mul3A_16 : i32
      %mul3A_19 = arith.constant 16 : i32
      %mul3A_20 = arith.muli %add3A_18, %mul3A_19 : i32
      %swap3A = arith.index_cast %mul3A_20 : i32 to index
      %swap3A_21 = tpu.vector_load %arg7[%swap3A] {strides = array<i32>} : memref<10000xf32, #tpu.memory_space<vmem>>, vector<16xf32>,
      tpu.vector_store %arg7[%swap3A], %broadcast_in_dim3A_1 {strides = array<i32>} : memref<10000xf32, #tpu.memory_space<vmem>>, vector<16xf32>,
      %mul3A_22 = arith.constant 16 : i32
      %mul3A_23 = arith.muli %add3A_18, %mul3A_22 : i32
      %swap3A_24 = arith.index_cast %mul3A_23 : i32 to index
      %swap3A_25 = tpu.vector_load %arg8[%swap3A_24] {strides = array<i32>} : memref<10000xf32, #tpu.memory_space<vmem>>, vector<16xf32>,
      tpu.vector_store %arg8[%swap3A_24], %broadcast_in_dim3A_1 {strides = array<i32>} : memref<10000xf32, #tpu.memory_space<vmem>>, vector<16xf32>,
    }
    %scan3A_5 = arith.constant 625 : i32
    %broadcast_in_dim3A_6 = arith.constant 1.000000e+00 : f32
    %broadcast_in_dim3A_7 = vector.broadcast %broadcast_in_dim3A_6 : f32 to vector<16xf32>
    %scan3A_8 = arith.constant 0 : i32
    %scan3A_9 = arith.constant 125 : i32
    %scan3A_10 = arith.addi %scan3A_8, %scan3A_9 : i32
    %scan3A_11 = arith.constant 1 : i32
    scf.for %scan3A_14 = %scan3A_8 to %scan3A_10 step %scan3A_11  : i32 {
      %mul3A_15 = arith.constant 1 : i32
      %mul3A_16 = arith.muli %scan3A_14, %mul3A_15 : i32
      %add3A_17 = arith.constant 0 : i32
      %add3A_18 = arith.addi %add3A_17, %mul3A_16 : i32
      %get3A = arith.index_cast %add3A_18 : i32 to index
      %get3A_19 = arith.constant 0 : index
      %get3A_20 = tpu.vector_load %arg5[%get3A, %get3A_19] {strides = array<i32>} : memref<125x80xi32, #tpu.memory_space<vmem>>, vector<16xi32>,
      %get3A_21 = arith.index_cast %add3A_18 : i32 to index
      %get3A_22 = arith.constant 0 : index
      %get3A_23 = tpu.vector_load %arg6[%get3A_21, %get3A_22] {strides = array<i32>} : memref<125x80xi32, #tpu.memory_space<vmem>>, vector<16xi32>,
      tpu.vector_store_idx %arg7[%get3A_20], %broadcast_in_dim3A_7 {add = true} : memref<10000xf32, #tpu.memory_space<vmem>>[vector<16xi32>], vector<16xf32>,
      tpu.vector_store_idx %arg8[%get3A_23], %broadcast_in_dim3A_7 {add = true} : memref<10000xf32, #tpu.memory_space<vmem>>[vector<16xi32>], vector<16xf32>,
      %get3A_24 = arith.index_cast %add3A_18 : i32 to index
      %get3A_25 = arith.constant 16 : index
      %get3A_26 = tpu.vector_load %arg5[%get3A_24, %get3A_25] {strides = array<i32>} : memref<125x80xi32, #tpu.memory_space<vmem>>, vector<16xi32>,
      %get3A_27 = arith.index_cast %add3A_18 : i32 to index
      %get3A_28 = arith.constant 16 : index
      %get3A_29 = tpu.vector_load %arg6[%get3A_27, %get3A_28] {strides = array<i32>} : memref<125x80xi32, #tpu.memory_space<vmem>>, vector<16xi32>,
      tpu.vector_store_idx %arg7[%get3A_26], %broadcast_in_dim3A_7 {add = true} : memref<10000xf32, #tpu.memory_space<vmem>>[vector<16xi32>], vector<16xf32>,
      tpu.vector_store_idx %arg8[%get3A_29], %broadcast_in_dim3A_7 {add = true} : memref<10000xf32, #tpu.memory_space<vmem>>[vector<16xi32>], vector<16xf32>,
      %get3A_30 = arith.index_cast %add3A_18 : i32 to index
      %get3A_31 = arith.constant 32 : index
      %get3A_32 = tpu.vector_load %arg5[%get3A_30, %get3A_31] {strides = array<i32>} : memref<125x80xi32, #tpu.memory_space<vmem>>, vector<16xi32>,
      %get3A_33 = arith.index_cast %add3A_18 : i32 to index
      %get3A_34 = arith.constant 32 : index
      %get3A_35 = tpu.vector_load %arg6[%get3A_33, %get3A_34] {strides = array<i32>} : memref<125x80xi32, #tpu.memory_space<vmem>>, vector<16xi32>,
      tpu.vector_store_idx %arg7[%get3A_32], %broadcast_in_dim3A_7 {add = true} : memref<10000xf32, #tpu.memory_space<vmem>>[vector<16xi32>], vector<16xf32>,
      tpu.vector_store_idx %arg8[%get3A_35], %broadcast_in_dim3A_7 {add = true} : memref<10000xf32, #tpu.memory_space<vmem>>[vector<16xi32>], vector<16xf32>,
      %get3A_36 = arith.index_cast %add3A_18 : i32 to index
      %get3A_37 = arith.constant 48 : index
      %get3A_38 = tpu.vector_load %arg5[%get3A_36, %get3A_37] {strides = array<i32>} : memref<125x80xi32, #tpu.memory_space<vmem>>, vector<16xi32>,
      %get3A_39 = arith.index_cast %add3A_18 : i32 to index
      %get3A_40 = arith.constant 48 : index
      %get3A_41 = tpu.vector_load %arg6[%get3A_39, %get3A_40] {strides = array<i32>} : memref<125x80xi32, #tpu.memory_space<vmem>>, vector<16xi32>,
      tpu.vector_store_idx %arg7[%get3A_38], %broadcast_in_dim3A_7 {add = true} : memref<10000xf32, #tpu.memory_space<vmem>>[vector<16xi32>], vector<16xf32>,
      tpu.vector_store_idx %arg8[%get3A_41], %broadcast_in_dim3A_7 {add = true} : memref<10000xf32, #tpu.memory_space<vmem>>[vector<16xi32>], vector<16xf32>,
      %get3A_42 = arith.index_cast %add3A_18 : i32 to index
      %get3A_43 = arith.constant 64 : index
      %get3A_44 = tpu.vector_load %arg5[%get3A_42, %get3A_43] {strides = array<i32>} : memref<125x80xi32, #tpu.memory_space<vmem>>, vector<16xi32>,
      %get3A_45 = arith.index_cast %add3A_18 : i32 to index
      %get3A_46 = arith.constant 64 : index
      %get3A_47 = tpu.vector_load %arg6[%get3A_45, %get3A_46] {strides = array<i32>} : memref<125x80xi32, #tpu.memory_space<vmem>>, vector<16xi32>,
      tpu.vector_store_idx %arg7[%get3A_44], %broadcast_in_dim3A_7 {add = true} : memref<10000xf32, #tpu.memory_space<vmem>>[vector<16xi32>], vector<16xf32>,
      tpu.vector_store_idx %arg8[%get3A_47], %broadcast_in_dim3A_7 {add = true} : memref<10000xf32, #tpu.memory_space<vmem>>[vector<16xi32>], vector<16xf32>,
    }
    %scan3A_12 = arith.constant 125 : i32
    %run_scoped3A = arith.constant 0 : i32
    "tpu.region"() ({
      %run_scoped3A_14 = tpu.sem_alloc : memref<!tpu.dma_semaphore, #tpu.memory_space<semaphore_mem>>
      %dma_start3A = arith.constant 0 : i32
      %dma_start3A_15 = tpu.memref_slice %arg4[%add3A, %run_scoped3A, %dma_start3A] : memref<32x2x10000xf32, #tpu.memory_space<hbm>> -> memref<1x1x10000xf32, #tpu.memory_space<hbm>>
      %dma_start3A_16 = tpu.memref_squeeze %dma_start3A_15 : memref<1x1x10000xf32, #tpu.memory_space<hbm>> -> memref<10000xf32, #tpu.memory_space<hbm>>
      %dma_start3A_17 = arith.constant 0 : i32
      %dma_start3A_18 = tpu.memref_slice %arg4[%add3A, %run_scoped3A, %dma_start3A_17] : memref<32x2x10000xf32, #tpu.memory_space<hbm>> -> memref<1x1x10000xf32, #tpu.memory_space<hbm>>
      %dma_start3A_19 = tpu.memref_squeeze %dma_start3A_18 : memref<1x1x10000xf32, #tpu.memory_space<hbm>> -> memref<10000xf32, #tpu.memory_space<hbm>>
      tpu.enqueue_dma source(%arg7 : memref<10000xf32, #tpu.memory_space<vmem>>) target(%dma_start3A_19 : memref<10000xf32, #tpu.memory_space<hbm>>) target_semaphore(%run_scoped3A_14 : memref<!tpu.dma_semaphore, #tpu.memory_space<semaphore_mem>>)
      %dma_wait3A = arith.constant 0 : i32
      %dma_wait3A_20 = tpu.memref_slice %arg4[%add3A, %run_scoped3A, %dma_wait3A] : memref<32x2x10000xf32, #tpu.memory_space<hbm>> -> memref<1x1x10000xf32, #tpu.memory_space<hbm>>
      %dma_wait3A_21 = tpu.memref_squeeze %dma_wait3A_20 : memref<1x1x10000xf32, #tpu.memory_space<hbm>> -> memref<10000xf32, #tpu.memory_space<hbm>>
      %dma_wait3A_22 = arith.constant 0 : i32
      %dma_wait3A_23 = tpu.memref_slice %arg4[%add3A, %run_scoped3A, %dma_wait3A_22] : memref<32x2x10000xf32, #tpu.memory_space<hbm>> -> memref<1x1x10000xf32, #tpu.memory_space<hbm>>
      %dma_wait3A_24 = tpu.memref_squeeze %dma_wait3A_23 : memref<1x1x10000xf32, #tpu.memory_space<hbm>> -> memref<10000xf32, #tpu.memory_space<hbm>>
      tpu.wait_dma2 semaphore(%run_scoped3A_14 : memref<!tpu.dma_semaphore, #tpu.memory_space<semaphore_mem>>) src(%arg7 : memref<10000xf32, #tpu.memory_space<vmem>>) dst(%dma_wait3A_24 : memref<10000xf32, #tpu.memory_space<hbm>>)
      tpu.yield
    }) : () -> ()
    %run_scoped3A_13 = arith.constant 1 : i32
    "tpu.region"() ({
      %run_scoped3A_14 = tpu.sem_alloc : memref<!tpu.dma_semaphore, #tpu.memory_space<semaphore_mem>>
      %dma_start3A = arith.constant 0 : i32
      %dma_start3A_15 = tpu.memref_slice %arg4[%add3A, %run_scoped3A_13, %dma_start3A] : memref<32x2x10000xf32, #tpu.memory_space<hbm>> -> memref<1x1x10000xf32, #tpu.memory_space<hbm>>
      %dma_start3A_16 = tpu.memref_squeeze %dma_start3A_15 : memref<1x1x10000xf32, #tpu.memory_space<hbm>> -> memref<10000xf32, #tpu.memory_space<hbm>>
      %dma_start3A_17 = arith.constant 0 : i32
      %dma_start3A_18 = tpu.memref_slice %arg4[%add3A, %run_scoped3A_13, %dma_start3A_17] : memref<32x2x10000xf32, #tpu.memory_space<hbm>> -> memref<1x1x10000xf32, #tpu.memory_space<hbm>>
      %dma_start3A_19 = tpu.memref_squeeze %dma_start3A_18 : memref<1x1x10000xf32, #tpu.memory_space<hbm>> -> memref<10000xf32, #tpu.memory_space<hbm>>
      tpu.enqueue_dma source(%arg8 : memref<10000xf32, #tpu.memory_space<vmem>>) target(%dma_start3A_19 : memref<10000xf32, #tpu.memory_space<hbm>>) target_semaphore(%run_scoped3A_14 : memref<!tpu.dma_semaphore, #tpu.memory_space<semaphore_mem>>)
      %dma_wait3A = arith.constant 0 : i32
      %dma_wait3A_20 = tpu.memref_slice %arg4[%add3A, %run_scoped3A_13, %dma_wait3A] : memref<32x2x10000xf32, #tpu.memory_space<hbm>> -> memref<1x1x10000xf32, #tpu.memory_space<hbm>>
      %dma_wait3A_21 = tpu.memref_squeeze %dma_wait3A_20 : memref<1x1x10000xf32, #tpu.memory_space<hbm>> -> memref<10000xf32, #tpu.memory_space<hbm>>
      %dma_wait3A_22 = arith.constant 0 : i32
      %dma_wait3A_23 = tpu.memref_slice %arg4[%add3A, %run_scoped3A_13, %dma_wait3A_22] : memref<32x2x10000xf32, #tpu.memory_space<hbm>> -> memref<1x1x10000xf32, #tpu.memory_space<hbm>>
      %dma_wait3A_24 = tpu.memref_squeeze %dma_wait3A_23 : memref<1x1x10000xf32, #tpu.memory_space<hbm>> -> memref<10000xf32, #tpu.memory_space<hbm>>
      tpu.wait_dma2 semaphore(%run_scoped3A_14 : memref<!tpu.dma_semaphore, #tpu.memory_space<semaphore_mem>>) src(%arg8 : memref<10000xf32, #tpu.memory_space<vmem>>) dst(%dma_wait3A_24 : memref<10000xf32, #tpu.memory_space<hbm>>)
      tpu.yield
    }) : () -> ()
    return
  }
}

module attributes {stable_mosaic.version = 14 : i64} {
  func.func @_tc_project_body(%arg0: memref<10000x128xf32, #tpu.memory_space<vmem>>, %arg1: memref<128x128xf32, #tpu.memory_space<vmem>>, %arg2: memref<32x2x10000xf32, #tpu.memory_space<vmem>>, %arg3: memref<10000x64xf32, #tpu.memory_space<vmem>>, %arg4: memref<10000x64xf32, #tpu.memory_space<vmem>>) attributes {dimension_semantics = [], scalar_prefetch = 0 : i64, scratch_operands = 0 : i64, tpu.core_type = #tpu.core_type<tc>} {
    %get3A = arith.constant 0 : index
    %get3A_0 = arith.constant 0 : index
    %get3A_1 = arith.constant 0 : index
    %get3A_2 = vector.load %arg2[%get3A, %get3A_0, %get3A_1] : memref<32x2x10000xf32, #tpu.memory_space<vmem>>, vector<32x1x10000xf32>
    %get3A_3 = vector.shape_cast %get3A_2 : vector<32x1x10000xf32> to vector<32x10000xf32>
    %reduce_sum3A = arith.constant dense<0.000000e+00> : vector<10000xf32>
    %reduce_sum3A_4 = vector.multi_reduction <add>, %get3A_3, %reduce_sum3A [0] : vector<32x10000xf32> to vector<10000xf32>
    %max3A = arith.constant 1.000000e+00 : f32
    %max3A_5 = vector.broadcast %max3A : f32 to vector<10000xf32>
    %max3A_6 = arith.maximumf %reduce_sum3A_4, %max3A_5 : vector<10000xf32>
    %rsqrt3A = math.rsqrt %max3A_6 : vector<10000xf32>
    %get3A_7 = arith.constant 0 : index
    %get3A_8 = arith.constant 0 : index
    %get3A_9 = vector.load %arg0[%get3A_7, %get3A_8] : memref<10000x128xf32, #tpu.memory_space<vmem>>, vector<10000x128xf32>
    %get3A_10 = arith.constant 0 : index
    %get3A_11 = arith.constant 0 : index
    %get3A_12 = vector.load %arg1[%get3A_10, %get3A_11] : memref<128x128xf32, #tpu.memory_space<vmem>>, vector<128x128xf32>
    %dot_general3A = arith.constant dense<0.000000e+00> : vector<10000x128xf32>
    %dot_general3A_13 = tpu.matmul %get3A_9, %get3A_12, %dot_general3A {dimension_numbers = #tpu.dot_dimension_numbers<[1], [0], [0], [1], [0, 0, 1, 1], [], []>, transpose_lhs_hint = false} : vector<10000x128xf32>, vector<128x128xf32>, vector<10000x128xf32> -> vector<10000x128xf32>
    %broadcast_in_dim3A = vector.shape_cast %rsqrt3A : vector<10000xf32> to vector<10000x1xf32>
    %mul3A = vector.broadcast %broadcast_in_dim3A : vector<10000x1xf32> to vector<10000x128xf32>
    %mul3A_14 = arith.mulf %dot_general3A_13, %mul3A : vector<10000x128xf32>
    %slice3A = vector.extract_strided_slice %mul3A_14 {offsets = [0, 0], sizes = [10000, 64], strides = [1, 1]} : vector<10000x128xf32> to vector<10000x64xf32>
    %swap3A = arith.constant 0 : index
    %swap3A_15 = arith.constant 0 : index
    %swap3A_16 = vector.load %arg3[%swap3A, %swap3A_15] : memref<10000x64xf32, #tpu.memory_space<vmem>>, vector<10000x64xf32>
    tpu.vector_store %arg3[%swap3A, %swap3A_15], %slice3A {strides = array<i32>} : memref<10000x64xf32, #tpu.memory_space<vmem>>, vector<10000x64xf32>,
    %slice3A_17 = vector.extract_strided_slice %mul3A_14 {offsets = [0, 64], sizes = [10000, 64], strides = [1, 1]} : vector<10000x128xf32> to vector<10000x64xf32>
    %swap3A_18 = arith.constant 0 : index
    %swap3A_19 = arith.constant 0 : index
    %swap3A_20 = vector.load %arg4[%swap3A_18, %swap3A_19] : memref<10000x64xf32, #tpu.memory_space<vmem>>, vector<10000x64xf32>
    tpu.vector_store %arg4[%swap3A_18, %swap3A_19], %slice3A_17 {strides = array<i32>} : memref<10000x64xf32, #tpu.memory_space<vmem>>, vector<10000x64xf32>,
    return
  }
}

module attributes {stable_mosaic.version = 14 : i64} {
  func.func @_tc_finish_body(%arg0: memref<2x2x10240x64xf32, #tpu.memory_space<vmem>>, %arg1: memref<32x2x10000xf32, #tpu.memory_space<vmem>>, %arg2: memref<1x128xf32, #tpu.memory_space<vmem>>, %arg3: memref<1x128xf32, #tpu.memory_space<vmem>>, %arg4: memref<1x128xf32, #tpu.memory_space<vmem>>, %arg5: memref<10000x128xf32, #tpu.memory_space<vmem>>) attributes {dimension_semantics = [], scalar_prefetch = 0 : i64, scratch_operands = 0 : i64, tpu.core_type = #tpu.core_type<tc>} {
    %get3A = arith.constant 0 : index
    %get3A_0 = arith.constant 0 : index
    %get3A_1 = arith.constant 0 : index
    %get3A_2 = arith.constant 0 : index
    %get3A_3 = vector.load %arg0[%get3A, %get3A_0, %get3A_1, %get3A_2] : memref<2x2x10240x64xf32, #tpu.memory_space<vmem>>, vector<1x1x10000x64xf32>
    %get3A_4 = vector.shape_cast %get3A_3 : vector<1x1x10000x64xf32> to vector<10000x64xf32>
    %get3A_5 = arith.constant 1 : index
    %get3A_6 = arith.constant 0 : index
    %get3A_7 = arith.constant 0 : index
    %get3A_8 = arith.constant 0 : index
    %get3A_9 = vector.load %arg0[%get3A_5, %get3A_6, %get3A_7, %get3A_8] : memref<2x2x10240x64xf32, #tpu.memory_space<vmem>>, vector<1x1x10000x64xf32>
    %get3A_10 = vector.shape_cast %get3A_9 : vector<1x1x10000x64xf32> to vector<10000x64xf32>
    %add3A = arith.addf %get3A_4, %get3A_10 : vector<10000x64xf32>
    %get3A_11 = arith.constant 0 : index
    %get3A_12 = arith.constant 1 : index
    %get3A_13 = arith.constant 0 : index
    %get3A_14 = arith.constant 0 : index
    %get3A_15 = vector.load %arg0[%get3A_11, %get3A_12, %get3A_13, %get3A_14] : memref<2x2x10240x64xf32, #tpu.memory_space<vmem>>, vector<1x1x10000x64xf32>
    %get3A_16 = vector.shape_cast %get3A_15 : vector<1x1x10000x64xf32> to vector<10000x64xf32>
    %get3A_17 = arith.constant 1 : index
    %get3A_18 = arith.constant 1 : index
    %get3A_19 = arith.constant 0 : index
    %get3A_20 = arith.constant 0 : index
    %get3A_21 = vector.load %arg0[%get3A_17, %get3A_18, %get3A_19, %get3A_20] : memref<2x2x10240x64xf32, #tpu.memory_space<vmem>>, vector<1x1x10000x64xf32>
    %get3A_22 = vector.shape_cast %get3A_21 : vector<1x1x10000x64xf32> to vector<10000x64xf32>
    %add3A_23 = arith.addf %get3A_16, %get3A_22 : vector<10000x64xf32>
    %concatenate3A = tpu.concatenate %add3A, %add3A_23 in 1 : vector<10000x64xf32>, vector<10000x64xf32> -> vector<10000x128xf32>
    %get3A_24 = arith.constant 0 : index
    %get3A_25 = arith.constant 1 : index
    %get3A_26 = arith.constant 0 : index
    %get3A_27 = vector.load %arg1[%get3A_24, %get3A_25, %get3A_26] : memref<32x2x10000xf32, #tpu.memory_space<vmem>>, vector<32x1x10000xf32>
    %get3A_28 = vector.shape_cast %get3A_27 : vector<32x1x10000xf32> to vector<32x10000xf32>
    %reduce_sum3A = arith.constant dense<0.000000e+00> : vector<10000xf32>
    %reduce_sum3A_29 = vector.multi_reduction <add>, %get3A_28, %reduce_sum3A [0] : vector<32x10000xf32> to vector<10000xf32>
    %max3A = arith.constant 1.000000e+00 : f32
    %max3A_30 = vector.broadcast %max3A : f32 to vector<10000xf32>
    %max3A_31 = arith.maximumf %reduce_sum3A_29, %max3A_30 : vector<10000xf32>
    %rsqrt3A = math.rsqrt %max3A_31 : vector<10000xf32>
    %broadcast_in_dim3A = vector.shape_cast %rsqrt3A : vector<10000xf32> to vector<10000x1xf32>
    %mul3A = vector.broadcast %broadcast_in_dim3A : vector<10000x1xf32> to vector<10000x128xf32>
    %mul3A_32 = arith.mulf %concatenate3A, %mul3A : vector<10000x128xf32>
    %get3A_33 = arith.constant 0 : index
    %get3A_34 = arith.constant 0 : index
    %get3A_35 = vector.load %arg2[%get3A_33, %get3A_34] : memref<1x128xf32, #tpu.memory_space<vmem>>, vector<1x128xf32>
    %add3A_36 = vector.broadcast %get3A_35 : vector<1x128xf32> to vector<10000x128xf32>
    %add3A_37 = arith.addf %mul3A_32, %add3A_36 : vector<10000x128xf32>
    %reduce_sum3A_38 = arith.constant dense<0.000000e+00> : vector<128xf32>
    %reduce_sum3A_39 = vector.multi_reduction <add>, %add3A_37, %reduce_sum3A_38 [0] : vector<10000x128xf32> to vector<128xf32>
    %broadcast_in_dim3A_40 = vector.shape_cast %reduce_sum3A_39 : vector<128xf32> to vector<1x128xf32>
    %div3A = arith.constant 1.000000e+04 : f32
    %div3A_41 = vector.broadcast %div3A : f32 to vector<1x128xf32>
    %div3A_42 = arith.divf %broadcast_in_dim3A_40, %div3A_41 : vector<1x128xf32>
    %sub3A = vector.broadcast %div3A_42 : vector<1x128xf32> to vector<10000x128xf32>
    %sub3A_43 = arith.subf %add3A_37, %sub3A : vector<10000x128xf32>
    %integer_pow3A = arith.mulf %sub3A_43, %sub3A_43 : vector<10000x128xf32>
    %reduce_sum3A_44 = arith.constant dense<0.000000e+00> : vector<128xf32>
    %reduce_sum3A_45 = vector.multi_reduction <add>, %integer_pow3A, %reduce_sum3A_44 [0] : vector<10000x128xf32> to vector<128xf32>
    %broadcast_in_dim3A_46 = vector.shape_cast %reduce_sum3A_45 : vector<128xf32> to vector<1x128xf32>
    %div3A_47 = arith.constant 1.000000e+04 : f32
    %div3A_48 = vector.broadcast %div3A_47 : f32 to vector<1x128xf32>
    %div3A_49 = arith.divf %broadcast_in_dim3A_46, %div3A_48 : vector<1x128xf32>
    %sub3A_50 = vector.broadcast %div3A_42 : vector<1x128xf32> to vector<10000x128xf32>
    %sub3A_51 = arith.subf %add3A_37, %sub3A_50 : vector<10000x128xf32>
    %add3A_52 = arith.constant 9.99999974E-6 : f32
    %add3A_53 = vector.broadcast %add3A_52 : f32 to vector<1x128xf32>
    %add3A_54 = arith.addf %div3A_49, %add3A_53 : vector<1x128xf32>
    %rsqrt3A_55 = math.rsqrt %add3A_54 : vector<1x128xf32>
    %mul3A_56 = vector.broadcast %rsqrt3A_55 : vector<1x128xf32> to vector<10000x128xf32>
    %mul3A_57 = arith.mulf %sub3A_51, %mul3A_56 : vector<10000x128xf32>
    %get3A_58 = arith.constant 0 : index
    %get3A_59 = arith.constant 0 : index
    %get3A_60 = vector.load %arg3[%get3A_58, %get3A_59] : memref<1x128xf32, #tpu.memory_space<vmem>>, vector<1x128xf32>
    %mul3A_61 = vector.broadcast %get3A_60 : vector<1x128xf32> to vector<10000x128xf32>
    %mul3A_62 = arith.mulf %mul3A_57, %mul3A_61 : vector<10000x128xf32>
    %get3A_63 = arith.constant 0 : index
    %get3A_64 = arith.constant 0 : index
    %get3A_65 = vector.load %arg4[%get3A_63, %get3A_64] : memref<1x128xf32, #tpu.memory_space<vmem>>, vector<1x128xf32>
    %add3A_66 = vector.broadcast %get3A_65 : vector<1x128xf32> to vector<10000x128xf32>
    %add3A_67 = arith.addf %mul3A_62, %add3A_66 : vector<10000x128xf32>
    %swap3A = arith.constant 0 : index
    %swap3A_68 = arith.constant 0 : index
    %swap3A_69 = vector.load %arg5[%swap3A, %swap3A_68] : memref<10000x128xf32, #tpu.memory_space<vmem>>, vector<10000x128xf32>
    tpu.vector_store %arg5[%swap3A, %swap3A_68], %add3A_67 {strides = array<i32>} : memref<10000x128xf32, #tpu.memory_space<vmem>>, vector<10000x128xf32>,
    return
  }
}

</mosaic_0001>

<sc_bundles>
// kernel: kernel.6.cloned.1.call-start
scs
__scs_entry_jumppad:
0x0: {  	(pc) =	sbr.rel $0x88, $3  }
0x1: {  	(tag) =	ssettag $0x0;
	lr =	simm.s32 $0x1  }
0x2: {  	[smem:$0x3F9B] =	sst lr;
	_ =	strace $0xD0000000  }
0x3: {  	_ = 	snop  }
0x4: {  	_ = 	snop  }
0x5: {  	_ = 	snop  }
0x6: {  	_ = 	snop  }
0x7: {  	_ = 	snop  }
__scs_overlays_trampoline_lowered:
0x8: {  	[smem:$0x3FAA] =	sst s0  }
0x9: {  	[smem:$0x3FAB] =	sst s1  }
0xa: {  	[smem:$0x3FAC] =	sst s2  }
0xb: {  	[smem:$0x3FAD] =	sst s3  }
0xc: {  	[smem:$0x3FAE] =	sst s4  }
0xd: {  	[smem:$0x3FAF] =	sst s5  }
0xe: {  	[smem:$0x3FB0] =	sst s6  }
0xf: {  	[smem:$0x3FB1] =	sst s7  }
0x10: {  	[smem:$0x3FB2] =	sst s8  }
0x11: {  	[smem:$0x3FB3] =	sst s9;
	s0 =	simm.s32 @!p0 $0x0  }
0x12: {  	s1 =	sld [smem:$0x3F99];
	s0 =	simm.s32 @p0 $0x1  }
0x13: {  	[smem:$0x3FB4] =	sst s0;
	s0 =	simm.s32 @!p1 $0x0  }
0x14: {  	s2 =	sld [smem:$0x3F98];
	s0 =	simm.s32 @p1 $0x1  }
0x15: {  	[smem:$0x3FB5] =	sst s0;
	s0 =	simm.s32 @!p2 $0x0  }
0x16: {  	s3 =	sld [smem:$0x3FDB];
	s0 =	simm.s32 @p2 $0x1  }
0x17: {  	s4 =	simm.s32 $0x1BF5;
	[smem:$0x3FB7] =	sst s0  }
0x18: {  	s0 =	sld [smem:$0x3F9A];
	_ =	swait.ge [sflag:s4], $0x0  }
0x19: {  	s7 =	sld [smem:$0x3F9B]  }
0x1a: {  	s8 =	sadd.s32 $0xFFFFE003, lr  }
0x1b: {  	s9 =	sadd.s32 $0xFFFFFEF7, lr;
	s5 =	simm.s32 $0xFFFFFFFF;
	p2 =	slt.u32 s8, $0xFFFFF086  }
0x1c: {  	p1 =	slt.u32 s9, $0xF7A;
	s5 =	simm.s32 @!p2 $0x0  }
0x1d: {  	s5 =	simm.s32 @p1 $0x1;
	p0 =	seq.s32 s7, s2  }
0x1e: {  	s7 =	smul.u32 @!p0 $0xF7A, s2;
	p2 =	seq.s32 @!p0 s5, $0x0  }
0x1f: {  	s9 =	smul.u32 $0xF7A, s1;
	s8 =	simm.s32 @!p0 $0x1BF5;
	p2 =	por !p2, p0  }
0x20: {  	[sflag:s8] =	ssyncset.s32 @!p0 $0xFFFFF086;
	s6 =	sadd.s32 @!p0 s3, s7;
	s7 =	simm.s32 @!p0 $0x108  }
0x21: {  	s3 =	sadd.s32 s3, s9;
	s6 =	sadd.s32 @!p0 $0x88, s6;
	s7 =	simm.s32 @p2 $0x1082  }
0x22: {  	[simem:s7], [sflag:s8] =	dma.local @!p0 [hbm:s6], $0xF7A  }
0x23: {  	s9 =	sor.u32 $0xD0000000, s2;
	s6 =	simm.s32 $0x108;
	_ =	swait.ge @!p0 [sflag:s8], $0x0  }
0x24: {  	s3 =	sadd.s32 $0x88, s3;
	s6 =	simm.s32 @!p1 $0x1082;
	[sflag:s4] =	ssyncset.s32 $0xFFFFF086  }
0x25: {  	[simem:s6], [sflag:s4] =	dma.local [hbm:s3], $0xF7A  }
0x26: {  	[smem:$0x3F9B] =	sst s1;
	(tag) =	ssettag s2;
	_ =	strace s9  }
0x27: {  	s1 =	sld [smem:$0x3FAB]  }
0x28: {  	s2 =	sld [smem:$0x3FAC]  }
0x29: {  	s4 =	sld [smem:$0x3FAE]  }
0x2a: {  	p0 =	seq.s32 s5, $0x0;
	s5 =	sld [smem:$0x3FAF]  }
0x2b: {  	s6 =	sld [smem:$0x3FB0]  }
0x2c: {  	s7 =	sld [smem:$0x3FB1]  }
0x2d: {  	s3 =	simm.s32 $0x108;
	s8 =	sld [smem:$0x3FB2]  }
0x2e: {  	s3 =	simm.s32 @!p0 $0x1082;
	s9 =	sld [smem:$0x3FB3]  }
0x2f: {  	lr =	sadd.s32 s0, s3;
	s0 =	sld [smem:$0x3FAA]  }
0x30: {  	s3 =	sld [smem:$0x3FAD]  }
0x31: {  	[smem:$0x3FB6] =	sst s10  }
0x32: {  	s10 =	sld [smem:$0x3FB4];
	_ =	sdelay $0x3  }
0x33: {  	p0 =	seq.s32 s10, $0x1;
	s10 =	sld [smem:$0x3FB6];
	_ =	sdelay $0x3  }
0x34: {  	[smem:$0x3FB6] =	sst s10  }
0x35: {  	s10 =	sld [smem:$0x3FB5];
	_ =	sdelay $0x3  }
0x36: {  	p1 =	seq.s32 s10, $0x1;
	s10 =	sld [smem:$0x3FB6];
	_ =	sdelay $0x3  }
0x37: {  	[smem:$0x3FB6] =	sst s10  }
0x38: {  	s10 =	sld [smem:$0x3FB7]  }
0x39: {  	_ = 	snop;
	(pc) =	sbr.ind lr, $3  }
0x3a: {  	_ = 	snop  }
0x3b: {  	_ = 	snop  }
0x3c: {  	p2 =	seq.s32 s10, $0x1;
	s10 =	sld [smem:$0x3FB6]  }
0x3d: {  	_ =	shalt  }
0x3e: {  	_ =	shalt  }
0x3f: {  	_ =	shalt  }
0x40: {  	_ =	shalt  }
0x41: {  	_ =	shalt  }
0x42: {  	_ =	shalt  }
0x43: {  	_ =	shalt  }
0x44: {  	_ =	shalt  }
0x45: {  	_ =	shalt  }
0x46: {  	_ =	shalt  }
0x47: {  	_ =	shalt  }
0x48: {  	_ =	shalt  }
0x49: {  	_ =	shalt  }
0x4a: {  	_ =	shalt  }
0x4b: {  	_ =	shalt  }
0x4c: {  	_ =	shalt  }
0x4d: {  	_ =	shalt  }
0x4e: {  	_ =	shalt  }
0x4f: {  	_ =	shalt  }
0x50: {  	_ =	shalt  }
0x51: {  	_ =	shalt  }
0x52: {  	_ =	shalt  }
0x53: {  	_ =	shalt  }
0x54: {  	_ =	shalt  }
0x55: {  	_ =	shalt  }
0x56: {  	_ =	shalt  }
0x57: {  	_ =	shalt  }
0x58: {  	_ =	shalt  }
0x59: {  	_ =	shalt  }
0x5a: {  	_ =	shalt  }
0x5b: {  	_ =	shalt  }
0x5c: {  	_ =	shalt  }
0x5d: {  	_ =	shalt  }
0x5e: {  	_ =	shalt  }
0x5f: {  	_ =	shalt  }
0x60: {  	_ =	shalt  }
0x61: {  	_ =	shalt  }
0x62: {  	_ =	shalt  }
0x63: {  	_ =	shalt  }
0x64: {  	_ =	shalt  }
0x65: {  	_ =	shalt  }
0x66: {  	_ =	shalt  }
0x67: {  	_ =	shalt  }
0x68: {  	_ =	shalt  }
0x69: {  	_ =	shalt  }
0x6a: {  	_ =	shalt  }
0x6b: {  	_ =	shalt  }
0x6c: {  	_ =	shalt  }
0x6d: {  	_ =	shalt  }
0x6e: {  	_ =	shalt  }
0x6f: {  	_ =	shalt  }
0x70: {  	_ =	shalt  }
0x71: {  	_ =	shalt  }
0x72: {  	_ =	shalt  }
0x73: {  	_ =	shalt  }
0x74: {  	_ =	shalt  }
0x75: {  	_ =	shalt  }
0x76: {  	_ =	shalt  }
0x77: {  	_ =	shalt  }
0x78: {  	_ =	shalt  }
0x79: {  	_ =	shalt  }
0x7a: {  	_ =	shalt  }
0x7b: {  	_ =	shalt  }
0x7c: {  	_ =	shalt  }
0x7d: {  	_ =	shalt  }
0x7e: {  	_ =	shalt  }
0x7f: {  	_ =	shalt  }
0x80: {  	_ =	shalt  }
0x81: {  	_ =	shalt  }
0x82: {  	_ =	shalt  }
0x83: {  	_ =	shalt  }
0x84: {  	_ =	shalt  }
0x85: {  	_ =	shalt  }
0x86: {  	_ =	shalt  }
0x87: {  	_ =	shalt  }
.Lfunc_end0:
.L_simem_size_0:
called_computation_lowered:
.L_overlay_start_0:
0x88: {  	s2 =	sld [smem:$0x3FD9]  }
0x89: {  	s3 =	sld [smem:$0x3FFE];
	_ =	sdelay $0x1  }
0x8a: {  	s1 =	srdreg.scid  }
0x8b: {  	s0 =	sand.u32 $0x1, s1  }
0x8c: {  	s17 =	sshll.u32 s0, $0xA;
	s2 =	sadd.s32 s3, s2  }
0x8d: {  	s2 =	sadd.s32 s2, s17  }
0x8e: {  	[smem:$0x3FC2] =	sst s2  }
0x8f: {  	_ = 	snop  }
0x90: {  	s2 =	sld [smem:$0x3FD0];
	(tm) =	ssettm $0x1  }
0x91: {  	s18 =	sld [smem:$0x3FFB];
	_ =	sdelay $0x3  }
0x92: {  	_ =	strace s18  }
0x93: {  	s3 =	sld [smem:$0x3FFC];
	_ =	sdelay $0x3  }
0x94: {  	_ =	strace s3  }
0x95: {  	s3 =	sld [smem:$0x3FFD];
	_ =	sdelay $0x3  }
0x96: {  	_ =	strace s3  }
0x97: {  	_ =	strace $0x8FFFFFFF  }
0x98: {  	s19 =	sld [smem:$0x3FDB];
	_ =	sdelay $0x1  }
0x99: {  	s4 =	simm.s32 $_scs_section_size  }
0x9a: {  	s5 =	simm.s32 $_size__tile_overlayer_lowered;
	s6 =	simm.s32 $_tile_overlayer_lowered  }
0x9b: {  	s22 =	simm.s32 $0x1BFF;
	s21 =	sshll.u32 s6, $0x1;
	s3 =	sadd.s32 s4, s19  }
0x9c: {  	s7 =	simm.s32 $0x0;
	s20 =	sshll.u32 s5, $0x1;
	s5 =	sadd.s32 s21, s3  }
0x9d: {  	[timem:s7], [sflag:s22] =	dma.local [hbm:s5], s20  }
0x9e: {  	_ =	swait.ge [sflag:s22], s20  }
0x9f: {  	s4 =	ssub.s32 $0x0, s20;
	[sflag:s22] =	ssyncset.done $0x0  }
0xa0: {  	[sflag:s22] =	ssyncadd.s32 s4;
	_ =	sdelay $0x1  }
0xa1: {  	s23 =	simm.s32 $0x1B8B  }
0xa2: {  	_ =	swait.ge [sflag:s23], $0x1  }
0xa3: {  	[sflag:s23] =	ssyncset.done $0x0  }
0xa4: {  	s25 =	simm.s32 $0x1B8E;
	s24 =	sld [smem:$0x3FFE];
	[sflag:s23] =	ssyncadd.s32 $0xFFFFFFFF  }
0xa5: {  	s26 =	simm.s32 $execute0_lowered;
	[smem:$0x3FD2] =	sst s25  }
0xa6: {  	s5 =	sshll.u32 s26, $0x1;
	_ =	strace $0x80000046;
	[dreg:$0x1] =	wrdreg $0xFFFFFFFF  }
0xa7: {  	s28 =	simm.s32 $_size_execute0_lowered;
	s3 =	sadd.s32 s3, s5;
	[dreg:$0x0] =	wrdreg $0x0  }
0xa8: {  	s5 =	sshll.u32 s28, $0x1;
	[dreg:$0x2] =	wrdreg s3  }
0xa9: {  	[dreg:$0x3] =	wrdreg s5  }
0xaa: {  	[dreg:$0x4] =	wrdreg $0xC0  }
0xab: {  	_ =	task [dreg:s7], $0x5FFFF  }
0xac: {  	[dreg:$0x1] =	wrdreg $0xFFFFFFFF  }
0xad: {  	[dreg:$0x0] =	wrdreg $0x60  }
0xae: {  	[dreg:$0x2] =	wrdreg s24  }
0xaf: {  	[dreg:$0x3] =	wrdreg s2  }
0xb0: {  	[dreg:$0x4] =	wrdreg $0x9  }
0xb1: {  	_ =	task.clear_ibuf [dreg:s7], $0x5FFFF;
	_ =	strace $0x90000046  }
0xb2: {  	s29 =	simm.s32 $0x9;
	_ =	strace $0x80000048  }
0xb3: {  	_ =	swait.ge [sflag:s29], $0x1  }
0xb4: {  	[sflag:s29] =	ssyncadd.s32 $0xFFFFFFFF  }
0xb5: {  	_ =	strace $0x90000048  }
0xb6: {  	_ =	sfence  }
0xb7: {  	s30 =	sld [smem:$0x0];
	_ =	sdelay $0x2  }
0xb8: {  	s31 =	sshll.u32 s1, $0xD;
	s1 =	sshrl.u32 s1, $0x2  }
0xb9: {  	s3 =	sand.u32 $0x4000, s31;
	s1 =	sadd.s32 s1, s30  }
0xba: {  	s0 =	sor.u32 s3, s0;
	s1 =	sshll.u32 s1, $0x11  }
0xbb: {  	s0 =	sor.u32 s1, s0  }
0xbc: {  	s0 =	sadd.s32 $0x8F2B, s0  }
0xbd: {  	[sflag:s0] =	ssyncadd.remote.s32 $0x1  }
0xbe: {  	_ =	sfence.sel $0xFFFF  }
0xbf: {  	[dreg:$0x0] =	wrdreg $0xFFFFFFFF;
	(pc) =	sbr.abs _section_cstart, $3  }
0xc0: {  	[dreg:$0x1] =	wrdreg $0xFFFFFFFF  }
0xc1: {  	_ =	task.clear_ibuf [dreg:s7], $0x2FFFF;
	_ =	strace $0x9FFFFFFF  }
0xc2: {  	(tm) =	ssettm $0x7FFFFFFF  }
0xc3: {  	_ =	shalt  }
tec
execute0_lowered:
.L_overlay_start_1:
0x0: {  	(tag) =	ssettag $0x1  }
0x1: {  	s3 =	rddreg [dreg:$0x0]  }
0x2: {  	s5 =	rddreg [dreg:$0x1]  }
0x3: {  	s0 =	rddreg [dreg:$0x2]  }
0x4: {  	s4 =	srdreg.scid;
	s1 =	stileid.u32  }
0x5: {  	s2 =	simm.s32 $0x0;
	s9 =	simm.s32 $0x4000;
	s10 =	simm.s32 $0x8000  }
0x6: {  	s11 =	simm.s32 $0xA780;
	s12 =	simm.s32 $0x80;
	s13 =	simm.s32 $0x100  }
0x7: {  	s14 =	simm.s32 $0x0;
	s4 =	sand.u32 $0x1, s4;
	s6 =	sshll.u32 s1, $0x1  }
0x8: {  	[smem:$0x7FF] =	sst s2;
	s6 =	sor.u32 s4, s6;
	s4 =	ssub.s32 $0x2, s4  }
0x9: {  	s7 =	sshll.u32 s6, $0xB;
	s8 =	sshrl.u32 s4, $0x1;
	s6 =	smul.u32 $0x9E0, s6  }
0xa: {  	_ =	strace $0x80000047;
	s7 =	sadd.s32 s7, s3;
	s8 =	ssub.s32 s4, s8  }
0xb: {  	s3 =	sadd.s32 $0x11400, s7;
	s4 =	sadd.s32 $0x1400, s7;
	s5 =	sadd.s32 s5, s6  }
0xc: {  	v0 =	vimm.f32 $0.0e+00;
	v1 =	vimm.f32 $1.000000000e+00;
	s7 =	smax.u32 s8, $0x1;
	s8 =	simm.s32 $0x1;
	s6 =	sadd.s32 $0x10, s5  }
.LBB2_1:
0xd: {  	[tilespmem:s2], [sflag:$0x1] =	stream.linear.gather [hbm4b:s3+s2], $0x3E80, $0x38;
	[tilespmem:$0xCF00] =	vst v63  }
0xe: {  	_ =	swait.ge [sflag:s8], $0x3E80  }
0xf: {  	[sflag:s8] =	ssyncset.done $0x0  }
0x10: {  	[sflag:s8] =	ssyncadd.s32 $0xFFFFC180  }
0x11: {  	[tilespmem:s9], [sflag:$0x1] =	stream.linear.gather [hbm4b:s4+s2], $0x3E80, $0x38;
	[tilespmem:$0xCF00] =	vst v63  }
0x12: {  	_ =	swait.ge [sflag:s8], $0x3E80  }
0x13: {  	[sflag:s8] =	ssyncset.done $0x0  }
0x14: {  	s15 =	simm.s32 $0x0;
	[sflag:s8] =	ssyncadd.s32 $0xFFFFC180  }
.LBB2_2:
0x15: {  	p0 =	sne.s32 s15, $0x9C00  }
.Ltmp0:
0x16: {  	_ = 	snop;
	(pc) =	sbr.rel @p0 .LBB2_2-.Ltmp0, $4  }
0x17: {  	_ = 	snop  }
0x18: {  	s16 =	sshra.s32 s15, $0x2  }
0x19: {  	[tilespmem:s16+$0x8000] =	vst v0  }
0x1a: {  	s15 =	sadd.s32 $0x40, s15;
	[tilespmem:s16+$0xA780] =	vst v0  }
0x1b: {  	s15 =	simm.s32 $0x0  }
.LBB2_4:
0x1c: {  	s16 =	sshra.s32 s15, $0x2  }
0x1d: {  	v2 =	vld [tilespmem:s16+$0x0]  }
0x1e: {  	v3 =	vld [tilespmem:s16+$0x4000];
	_ =	sdelay $0x6  }
0x1f: {  	[tilespmem:v2+s10+$0x0] =	vst.idx.add.f32.msk $0xffff, v1  }
0x20: {  	[tilespmem:v3+s11+$0x0] =	vst.idx.add.f32.msk $0xffff, v1  }
0x21: {  	v2 =	vld [tilespmem:s16+$0x10]  }
0x22: {  	v3 =	vld [tilespmem:s16+$0x4010];
	_ =	sdelay $0x6  }
0x23: {  	[tilespmem:v2+s10+$0x0] =	vst.idx.add.f32.msk $0xffff, v1  }
0x24: {  	[tilespmem:v3+s11+$0x0] =	vst.idx.add.f32.msk $0xffff, v1  }
0x25: {  	v2 =	vld [tilespmem:s16+$0x20]  }
0x26: {  	v3 =	vld [tilespmem:s16+$0x4020];
	_ =	sdelay $0x6  }
0x27: {  	[tilespmem:v2+s10+$0x0] =	vst.idx.add.f32.msk $0xffff, v1  }
0x28: {  	[tilespmem:v3+s11+$0x0] =	vst.idx.add.f32.msk $0xffff, v1  }
0x29: {  	v2 =	vld [tilespmem:s16+$0x30]  }
0x2a: {  	v3 =	vld [tilespmem:s16+$0x4030];
	_ =	sdelay $0x6  }
0x2b: {  	[tilespmem:v2+s10+$0x0] =	vst.idx.add.f32.msk $0xffff, v1  }
0x2c: {  	[tilespmem:v3+s11+$0x0] =	vst.idx.add.f32.msk $0xffff, v1  }
0x2d: {  	v2 =	vld [tilespmem:s16+$0x40]  }
0x2e: {  	v3 =	vld [tilespmem:s16+$0x4040];
	_ =	sdelay $0x2  }
0x2f: {  	p0 =	sne.s32 s15, $0xF800  }
.Ltmp1:
0x30: {  	_ = 	snop;
	(pc) =	sbr.rel @p0 .LBB2_4-.Ltmp1, $3  }
0x31: {  	_ =	sdelay $0x1  }
0x32: {  	[tilespmem:v2+s10+$0x0] =	vst.idx.add.f32.msk $0xffff, v1  }
0x33: {  	s15 =	sadd.s32 $0x200, s15;
	[tilespmem:v3+s11+$0x0] =	vst.idx.add.f32.msk $0xffff, v1  }
0x34: {  	[hbm4b:s5+s12] =	stream.strided.scatter [tilespmem:s10], [sflag:$0x1], $0x2780, s13, s12, $0x38;
	[tilespmem:$0xCF00] =	vst v63  }
0x35: {  	s14 =	sadd.s32 $0x1, s14;
	_ =	swait.ge [sflag:s8], $0x2780  }
0x36: {  	p0 =	sne.s32 s14, s7;
	[sflag:s8] =	ssyncset.done $0x0  }
.Ltmp2:
0x37: {  	[sflag:s8] =	ssyncadd.s32 $0xFFFFD880;
	(pc) =	sbr.rel @p0 .LBB2_1-.Ltmp2, $4  }
0x38: {  	[hbm4b:s6+s12] =	stream.strided.scatter [tilespmem:s11], [sflag:$0x1], $0x2780, s13, s12, $0x38;
	[tilespmem:$0xCF00] =	vst v63  }
0x39: {  	_ =	swait.ge [sflag:s8], $0x2780  }
0x3a: {  	[sflag:s8] =	ssyncset.done $0x0  }
0x3b: {  	[sflag:s8] =	ssyncadd.s32 $0xFFFFD880  }
0x3c: {  	_ =	sfence.sel $0x180000  }
0x3d: {  	[bflag:$0x0] =	sbarrier.arrive $0xFFFF  }
0x3e: {  	p0 =	sne.s32 s1, $0x0;
	_ =	strace $0x90000047  }
0x3f: {  	s0 =	sadd.s32 @!p0 $0x100000, s0;
	[bflag:$0x2] =	sbarrier.arrive $0xFFFF  }
0x40: {  	[sflag:s0] =	ssyncadd.tile.s32 @!p0 $0x1;
	_ =	shalt  }
.Lfunc_end2:
_tile_overlayer_lowered:
.L_overlay_start_2:
0x41: {  	(tag) =	ssettag $0x2  }
0x42: {  	s0 =	rddreg [dreg:$0x0];
	s2 =	stileid.u32  }
0x43: {  	s1 =	rddreg [dreg:$0x1];
	p0 =	sne.s32 s2, $0x0  }
0x44: {  	s3 =	rddreg [dreg:$0x2];
	[bflag:$0x3] =	sbarrier.arrive $0xFFFF;
	s2 =	simm.s32 @!p0 $0x1C01  }
0x45: {  	[timem:s3], [sflag:s2] =	dma.local @!p0 [hbm:s0], s1  }
0x46: {  	s0 =	simm.s32 @!p0 $0x1  }
0x47: {  	_ =	swait.ge @!p0 [sflag:s0], s1  }
0x48: {  	s1 =	ssub.s32 @!p0 $0x0, s1;
	[sflag:s0] =	ssyncset.done @!p0 $0x0  }
0x49: {  	[sflag:s0] =	ssyncadd.s32 @!p0 s1  }
0x4a: {  	[bflag:$0x3] =	sbarrier.arrive $0xFFFF  }
0x4b: {  	_ =	shalt  }

// kernel: kernel.9.cloned.1.call-start
scs
__scs_entry_jumppad:
0x0: {  	(pc) =	sbr.rel $0x88, $3  }
0x1: {  	(tag) =	ssettag $0x0;
	lr =	simm.s32 $0x1  }
0x2: {  	[smem:$0x3F9B] =	sst lr;
	_ =	strace $0xD0000000  }
0x3: {  	_ = 	snop  }
0x4: {  	_ = 	snop  }
0x5: {  	_ = 	snop  }
0x6: {  	_ = 	snop  }
0x7: {  	_ = 	snop  }
__scs_overlays_trampoline_lowered:
0x8: {  	[smem:$0x3FAA] =	sst s0  }
0x9: {  	[smem:$0x3FAB] =	sst s1  }
0xa: {  	[smem:$0x3FAC] =	sst s2  }
0xb: {  	[smem:$0x3FAD] =	sst s3  }
0xc: {  	[smem:$0x3FAE] =	sst s4  }
0xd: {  	[smem:$0x3FAF] =	sst s5  }
0xe: {  	[smem:$0x3FB0] =	sst s6  }
0xf: {  	[smem:$0x3FB1] =	sst s7  }
0x10: {  	[smem:$0x3FB2] =	sst s8  }
0x11: {  	[smem:$0x3FB3] =	sst s9;
	s0 =	simm.s32 @!p0 $0x0  }
0x12: {  	s1 =	sld [smem:$0x3F99];
	s0 =	simm.s32 @p0 $0x1  }
0x13: {  	[smem:$0x3FB4] =	sst s0;
	s0 =	simm.s32 @!p1 $0x0  }
0x14: {  	s2 =	sld [smem:$0x3F98];
	s0 =	simm.s32 @p1 $0x1  }
0x15: {  	[smem:$0x3FB5] =	sst s0;
	s0 =	simm.s32 @!p2 $0x0  }
0x16: {  	s3 =	sld [smem:$0x3FDB];
	s0 =	simm.s32 @p2 $0x1  }
0x17: {  	s4 =	simm.s32 $0x1BF5;
	[smem:$0x3FB7] =	sst s0  }
0x18: {  	s0 =	sld [smem:$0x3F9A];
	_ =	swait.ge [sflag:s4], $0x0  }
0x19: {  	s7 =	sld [smem:$0x3F9B]  }
0x1a: {  	s8 =	sadd.s32 $0xFFFFE003, lr  }
0x1b: {  	s9 =	sadd.s32 $0xFFFFFEF7, lr;
	s5 =	simm.s32 $0xFFFFFFFF;
	p2 =	slt.u32 s8, $0xFFFFF086  }
0x1c: {  	p1 =	slt.u32 s9, $0xF7A;
	s5 =	simm.s32 @!p2 $0x0  }
0x1d: {  	s5 =	simm.s32 @p1 $0x1;
	p0 =	seq.s32 s7, s2  }
0x1e: {  	s7 =	smul.u32 @!p0 $0xF7A, s2;
	p2 =	seq.s32 @!p0 s5, $0x0  }
0x1f: {  	s9 =	smul.u32 $0xF7A, s1;
	s8 =	simm.s32 @!p0 $0x1BF5;
	p2 =	por !p2, p0  }
0x20: {  	[sflag:s8] =	ssyncset.s32 @!p0 $0xFFFFF086;
	s6 =	sadd.s32 @!p0 s3, s7;
	s7 =	simm.s32 @!p0 $0x108  }
0x21: {  	s3 =	sadd.s32 s3, s9;
	s6 =	sadd.s32 @!p0 $0x88, s6;
	s7 =	simm.s32 @p2 $0x1082  }
0x22: {  	[simem:s7], [sflag:s8] =	dma.local @!p0 [hbm:s6], $0xF7A  }
0x23: {  	s9 =	sor.u32 $0xD0000000, s2;
	s6 =	simm.s32 $0x108;
	_ =	swait.ge @!p0 [sflag:s8], $0x0  }
0x24: {  	s3 =	sadd.s32 $0x88, s3;
	s6 =	simm.s32 @!p1 $0x1082;
	[sflag:s4] =	ssyncset.s32 $0xFFFFF086  }
0x25: {  	[simem:s6], [sflag:s4] =	dma.local [hbm:s3], $0xF7A  }
0x26: {  	[smem:$0x3F9B] =	sst s1;
	(tag) =	ssettag s2;
	_ =	strace s9  }
0x27: {  	s1 =	sld [smem:$0x3FAB]  }
0x28: {  	s2 =	sld [smem:$0x3FAC]  }
0x29: {  	s4 =	sld [smem:$0x3FAE]  }
0x2a: {  	p0 =	seq.s32 s5, $0x0;
	s5 =	sld [smem:$0x3FAF]  }
0x2b: {  	s6 =	sld [smem:$0x3FB0]  }
0x2c: {  	s7 =	sld [smem:$0x3FB1]  }
0x2d: {  	s3 =	simm.s32 $0x108;
	s8 =	sld [smem:$0x3FB2]  }
0x2e: {  	s3 =	simm.s32 @!p0 $0x1082;
	s9 =	sld [smem:$0x3FB3]  }
0x2f: {  	lr =	sadd.s32 s0, s3;
	s0 =	sld [smem:$0x3FAA]  }
0x30: {  	s3 =	sld [smem:$0x3FAD]  }
0x31: {  	[smem:$0x3FB6] =	sst s10  }
0x32: {  	s10 =	sld [smem:$0x3FB4];
	_ =	sdelay $0x3  }
0x33: {  	p0 =	seq.s32 s10, $0x1;
	s10 =	sld [smem:$0x3FB6];
	_ =	sdelay $0x3  }
0x34: {  	[smem:$0x3FB6] =	sst s10  }
0x35: {  	s10 =	sld [smem:$0x3FB5];
	_ =	sdelay $0x3  }
0x36: {  	p1 =	seq.s32 s10, $0x1;
	s10 =	sld [smem:$0x3FB6];
	_ =	sdelay $0x3  }
0x37: {  	[smem:$0x3FB6] =	sst s10  }
0x38: {  	s10 =	sld [smem:$0x3FB7]  }
0x39: {  	_ = 	snop;
	(pc) =	sbr.ind lr, $3  }
0x3a: {  	_ = 	snop  }
0x3b: {  	_ = 	snop  }
0x3c: {  	p2 =	seq.s32 s10, $0x1;
	s10 =	sld [smem:$0x3FB6]  }
0x3d: {  	_ =	shalt  }
0x3e: {  	_ =	shalt  }
0x3f: {  	_ =	shalt  }
0x40: {  	_ =	shalt  }
0x41: {  	_ =	shalt  }
0x42: {  	_ =	shalt  }
0x43: {  	_ =	shalt  }
0x44: {  	_ =	shalt  }
0x45: {  	_ =	shalt  }
0x46: {  	_ =	shalt  }
0x47: {  	_ =	shalt  }
0x48: {  	_ =	shalt  }
0x49: {  	_ =	shalt  }
0x4a: {  	_ =	shalt  }
0x4b: {  	_ =	shalt  }
0x4c: {  	_ =	shalt  }
0x4d: {  	_ =	shalt  }
0x4e: {  	_ =	shalt  }
0x4f: {  	_ =	shalt  }
0x50: {  	_ =	shalt  }
0x51: {  	_ =	shalt  }
0x52: {  	_ =	shalt  }
0x53: {  	_ =	shalt  }
0x54: {  	_ =	shalt  }
0x55: {  	_ =	shalt  }
0x56: {  	_ =	shalt  }
0x57: {  	_ =	shalt  }
0x58: {  	_ =	shalt  }
0x59: {  	_ =	shalt  }
0x5a: {  	_ =	shalt  }
0x5b: {  	_ =	shalt  }
0x5c: {  	_ =	shalt  }
0x5d: {  	_ =	shalt  }
0x5e: {  	_ =	shalt  }
0x5f: {  	_ =	shalt  }
0x60: {  	_ =	shalt  }
0x61: {  	_ =	shalt  }
0x62: {  	_ =	shalt  }
0x63: {  	_ =	shalt  }
0x64: {  	_ =	shalt  }
0x65: {  	_ =	shalt  }
0x66: {  	_ =	shalt  }
0x67: {  	_ =	shalt  }
0x68: {  	_ =	shalt  }
0x69: {  	_ =	shalt  }
0x6a: {  	_ =	shalt  }
0x6b: {  	_ =	shalt  }
0x6c: {  	_ =	shalt  }
0x6d: {  	_ =	shalt  }
0x6e: {  	_ =	shalt  }
0x6f: {  	_ =	shalt  }
0x70: {  	_ =	shalt  }
0x71: {  	_ =	shalt  }
0x72: {  	_ =	shalt  }
0x73: {  	_ =	shalt  }
0x74: {  	_ =	shalt  }
0x75: {  	_ =	shalt  }
0x76: {  	_ =	shalt  }
0x77: {  	_ =	shalt  }
0x78: {  	_ =	shalt  }
0x79: {  	_ =	shalt  }
0x7a: {  	_ =	shalt  }
0x7b: {  	_ =	shalt  }
0x7c: {  	_ =	shalt  }
0x7d: {  	_ =	shalt  }
0x7e: {  	_ =	shalt  }
0x7f: {  	_ =	shalt  }
0x80: {  	_ =	shalt  }
0x81: {  	_ =	shalt  }
0x82: {  	_ =	shalt  }
0x83: {  	_ =	shalt  }
0x84: {  	_ =	shalt  }
0x85: {  	_ =	shalt  }
0x86: {  	_ =	shalt  }
0x87: {  	_ =	shalt  }
.Lfunc_end0:
.L_simem_size_0:
called_computation.1_lowered:
.L_overlay_start_0:
0x88: {  	s2 =	sld [smem:$0x3FD9]  }
0x89: {  	s3 =	sld [smem:$0x3FFE];
	_ =	sdelay $0x1  }
0x8a: {  	s1 =	srdreg.scid  }
0x8b: {  	s0 =	sand.u32 $0x1, s1  }
0x8c: {  	s17 =	sshll.u32 s0, $0xA;
	s2 =	sadd.s32 s3, s2  }
0x8d: {  	s2 =	sadd.s32 s2, s17  }
0x8e: {  	[smem:$0x3FC2] =	sst s2  }
0x8f: {  	_ = 	snop  }
0x90: {  	s2 =	sld [smem:$0x3FD0];
	(tm) =	ssettm $0x1  }
0x91: {  	s18 =	sld [smem:$0x3FFB];
	_ =	sdelay $0x3  }
0x92: {  	_ =	strace s18  }
0x93: {  	s3 =	sld [smem:$0x3FFC];
	_ =	sdelay $0x3  }
0x94: {  	_ =	strace s3  }
0x95: {  	s3 =	sld [smem:$0x3FFD];
	_ =	sdelay $0x3  }
0x96: {  	_ =	strace s3  }
0x97: {  	_ =	strace $0x8FFFFFFF  }
0x98: {  	s19 =	sld [smem:$0x3FDB];
	_ =	sdelay $0x1  }
0x99: {  	s4 =	simm.s32 $_scs_section_size  }
0x9a: {  	s5 =	simm.s32 $_size__tile_overlayer_lowered;
	s6 =	simm.s32 $_tile_overlayer_lowered  }
0x9b: {  	s22 =	simm.s32 $0x1BFF;
	s21 =	sshll.u32 s6, $0x1;
	s3 =	sadd.s32 s4, s19  }
0x9c: {  	s7 =	simm.s32 $0x0;
	s20 =	sshll.u32 s5, $0x1;
	s5 =	sadd.s32 s21, s3  }
0x9d: {  	[timem:s7], [sflag:s22] =	dma.local [hbm:s5], s20  }
0x9e: {  	_ =	swait.ge [sflag:s22], s20  }
0x9f: {  	s4 =	ssub.s32 $0x0, s20;
	[sflag:s22] =	ssyncset.done $0x0  }
0xa0: {  	[sflag:s22] =	ssyncadd.s32 s4;
	_ =	sdelay $0x1  }
0xa1: {  	s23 =	simm.s32 $0x1B8B  }
0xa2: {  	_ =	swait.ge [sflag:s23], $0x1  }
0xa3: {  	[sflag:s23] =	ssyncset.done $0x0  }
0xa4: {  	s25 =	simm.s32 $0x1B8E;
	s24 =	sld [smem:$0x3FFE];
	[sflag:s23] =	ssyncadd.s32 $0xFFFFFFFF  }
0xa5: {  	s26 =	simm.s32 $execute0_lowered;
	[smem:$0x3FD2] =	sst s25  }
0xa6: {  	s5 =	sshll.u32 s26, $0x1;
	_ =	strace $0x80000049;
	[dreg:$0x1] =	wrdreg $0xFFFFFFFF  }
0xa7: {  	s28 =	simm.s32 $_size_execute0_lowered;
	s3 =	sadd.s32 s3, s5;
	[dreg:$0x0] =	wrdreg $0x0  }
0xa8: {  	s5 =	sshll.u32 s28, $0x1;
	[dreg:$0x2] =	wrdreg s3  }
0xa9: {  	[dreg:$0x3] =	wrdreg s5  }
0xaa: {  	[dreg:$0x4] =	wrdreg $0xC0  }
0xab: {  	_ =	task [dreg:s7], $0x5FFFF  }
0xac: {  	[dreg:$0x1] =	wrdreg $0xFFFFFFFF  }
0xad: {  	[dreg:$0x0] =	wrdreg $0x60  }
0xae: {  	[dreg:$0x2] =	wrdreg s2  }
0xaf: {  	[dreg:$0x3] =	wrdreg s24  }
0xb0: {  	[dreg:$0x4] =	wrdreg $0xF0000  }
0xb1: {  	[dreg:$0x5] =	wrdreg $0x9  }
0xb2: {  	_ =	task.clear_ibuf [dreg:s7], $0x6FFFF;
	_ =	strace $0x90000049  }
0xb3: {  	s29 =	simm.s32 $0x9;
	_ =	strace $0x8000004B  }
0xb4: {  	_ =	swait.ge [sflag:s29], $0x1  }
0xb5: {  	[sflag:s29] =	ssyncadd.s32 $0xFFFFFFFF  }
0xb6: {  	_ =	strace $0x9000004B  }
0xb7: {  	_ =	sfence  }
0xb8: {  	s30 =	sld [smem:$0x0];
	_ =	sdelay $0x2  }
0xb9: {  	s31 =	sshll.u32 s1, $0xD;
	s1 =	sshrl.u32 s1, $0x2  }
0xba: {  	s3 =	sand.u32 $0x4000, s31;
	s1 =	sadd.s32 s1, s30  }
0xbb: {  	s0 =	sor.u32 s3, s0;
	s1 =	sshll.u32 s1, $0x11  }
0xbc: {  	s0 =	sor.u32 s1, s0  }
0xbd: {  	s0 =	sadd.s32 $0x8F2B, s0  }
0xbe: {  	[sflag:s0] =	ssyncadd.remote.s32 $0x1  }
0xbf: {  	_ =	sfence.sel $0xFFFF  }
0xc0: {  	[dreg:$0x0] =	wrdreg $0xFFFFFFFF;
	(pc) =	sbr.abs _section_cstart, $3  }
0xc1: {  	[dreg:$0x1] =	wrdreg $0xFFFFFFFF  }
0xc2: {  	_ =	task.clear_ibuf [dreg:s7], $0x2FFFF;
	_ =	strace $0x9FFFFFFF  }
0xc3: {  	(tm) =	ssettm $0x7FFFFFFF  }
tec
execute0_lowered:
.L_overlay_start_1:
0x0: {  	(tag) =	ssettag $0x1  }
0x1: {  	s1 =	rddreg [dreg:$0x0]  }
0x2: {  	s0 =	rddreg [dreg:$0x1]  }
0x3: {  	s3 =	rddreg [dreg:$0x2]  }
0x4: {  	s2 =	srdreg.scid;
	s8 =	stileid.u32  }
0x5: {  	s5 =	simm.s32 $0x0;
	s16 =	simm.s32 $0x9;
	s18 =	simm.s32 $0xD000  }
0x6: {  	s19 =	simm.s32 $0x80;
	s28 =	simm.s32 $0x2;
	s29 =	simm.s32 $0x3  }
0x7: {  	s30 =	simm.s32 $0x4;
	s31 =	simm.s32 $0x5;
	s17 =	simm.s32 $0x7  }
0x8: {  	s13 =	simm.s32 $0x4F80;
	s14 =	simm.s32 $0x0;
	s4 =	smul.u32 $0xA000, s8  }
0x9: {  	s2 =	sand.u32 $0x1, s2;
	s20 =	sshll.u32 s8, $0x1;
	s8 =	smul.u32 $0x28000, s8  }
0xa: {  	[smem:$0x7FF] =	sst s5;
	s5 =	sadd.s32 $0x1400, s0;
	s6 =	smul.u32 $0x140000, s2  }
0xb: {  	_ =	strace $0x8000004A;
	s7 =	sor.u32 s2, s20;
	s2 =	ssub.s32 $0x2, s2  }
0xc: {  	s20 =	simm.s32 $0x5000;
	s7 =	smul.u32 $0x500, s7;
	s21 =	sshrl.u32 s2, $0x1  }
0xd: {  	s23 =	sshrl.u32 s8, $0x2;
	s8 =	sadd.s32 s4, s3;
	s6 =	sadd.s32 s4, s6  }
0xe: {  	s2 =	ssub.s32 s2, s21;
	s24 =	sadd.s32 s23, s3;
	s21 =	simm.s32 $0x7000  }
0xf: {  	s23 =	simm.s32 $0x9000;
	s6 =	sshrl.u32 s6, $0x3;
	s7 =	sadd.s32 s7, s0  }
0x10: {  	s9 =	sadd.s32 $0x2000, s24;
	s10 =	sadd.s32 $0x4000, s24;
	s11 =	sadd.s32 $0x6000, s24  }
0x11: {  	s12 =	sadd.s32 $0x8000, s24;
	s26 =	smax.u32 s2, $0x1;
	s24 =	simm.s32 $0x100  }
0x12: {  	s2 =	simm.s32 $0x8;
	s22 =	sadd.s32 $0x2B400, s7;
	[dreg:$0x8] =	wrdreg s26  }
0x13: {  	s0 =	sadd.s32 s6, s0;
	s7 =	sadd.s32 $0x21400, s7;
	[dreg:$0x4] =	wrdreg s22  }
0x14: {  	s26 =	simm.s32 $0x1;
	[dreg:$0x5] =	wrdreg s7;
	s25 =	sadd.s32 $0x35400, s0  }
0x15: {  	s0 =	sadd.s32 $0x49400, s0;
	s7 =	simm.s32 $0x4F00;
	[dreg:$0x6] =	wrdreg s25  }
0x16: {  	v0 =	vimm.f32 $0.0e+00;
	[dreg:$0x7] =	wrdreg s0;
	s25 =	simm.s32 $0xB000;
	s0 =	simm.s32 $0x6  }
.LBB2_1:
0x17: {  	s4 =	simm.s32 $0x0;
	s6 =	rddreg [dreg:$0x4]  }
0x18: {  	[tilespmem:s4], [sflag:$0x9] =	stream.linear.gather [hbm4b:s6+s4], $0x2800, $0x38;
	[tilespmem:$0x19000] =	vst v63  }
0x19: {  	_ =	swait.ge [sflag:s16], $0x2800  }
0x1a: {  	[sflag:s16] =	ssyncset.done $0x0  }
0x1b: {  	s15 =	simm.s32 $0x2800;
	s22 =	rddreg [dreg:$0x5];
	[sflag:s16] =	ssyncadd.s32 $0xFFFFD800  }
0x1c: {  	[tilespmem:s15], [sflag:$0x9] =	stream.linear.gather [hbm4b:s22+s4], $0x2800, $0x38;
	[tilespmem:$0x19000] =	vst v63  }
0x1d: {  	_ =	swait.ge [sflag:s16], $0x2800  }
0x1e: {  	[sflag:s16] =	ssyncset.done $0x0  }
0x1f: {  	s15 =	simm.s32 $0x100;
	s4 =	simm.s32 $0x0;
	[sflag:s16] =	ssyncadd.s32 $0xFFFFD800  }
.LBB2_2:
0x20: {  	p0 =	sne.s32 s15, $0x7F00;
	[tilespmem:s4+$0xD030] =	vst v0;
	s22 =	smov.u32 s15;
	s15 =	sadd.s32 $0x100, s15  }
.Ltmp0:
0x21: {  	[tilespmem:s4+$0xD020] =	vst v0;
	(pc) =	sbr.rel @p0 .LBB2_2-.Ltmp0, $3  }
0x22: {  	[tilespmem:s4+$0xD000] =	vst v0  }
0x23: {  	[tilespmem:s4+$0xD010] =	vst v0;
	_ =	sdelay $0x1  }
0x24: {  	s4 =	sshra.s32 s22, $0x2  }
0x25: {  	[tilespmem:s4+$0xD030] =	vst v0  }
0x26: {  	[tilespmem:s4+$0xD020] =	vst v0  }
0x27: {  	[tilespmem:s4+$0xD000] =	vst v0  }
0x28: {  	[tilespmem:s4+$0xD010] =	vst v0  }
0x29: {  	[spmem:s8] =	stream.linear.scatter [tilespmem:s18], [sflag:$0x9], $0x2000, $0x38;
	[tilespmem:$0x19000] =	vst v63  }
0x2a: {  	_ =	swait.ge [sflag:s16], $0x2000  }
0x2b: {  	[sflag:s16] =	ssyncset.done $0x0  }
0x2c: {  	[sflag:s16] =	ssyncadd.s32 $0xFFFFE000  }
0x2d: {  	[spmem:s9] =	stream.linear.scatter [tilespmem:s18], [sflag:$0x9], $0x2000, $0x38;
	[tilespmem:$0x19000] =	vst v63  }
0x2e: {  	_ =	swait.ge [sflag:s16], $0x2000  }
0x2f: {  	[sflag:s16] =	ssyncset.done $0x0  }
0x30: {  	[sflag:s16] =	ssyncadd.s32 $0xFFFFE000  }
0x31: {  	[spmem:s10] =	stream.linear.scatter [tilespmem:s18], [sflag:$0x9], $0x2000, $0x38;
	[tilespmem:$0x19000] =	vst v63  }
0x32: {  	_ =	swait.ge [sflag:s16], $0x2000  }
0x33: {  	[sflag:s16] =	ssyncset.done $0x0  }
0x34: {  	[sflag:s16] =	ssyncadd.s32 $0xFFFFE000  }
0x35: {  	[spmem:s11] =	stream.linear.scatter [tilespmem:s18], [sflag:$0x9], $0x2000, $0x38;
	[tilespmem:$0x19000] =	vst v63  }
0x36: {  	_ =	swait.ge [sflag:s16], $0x2000  }
0x37: {  	[sflag:s16] =	ssyncset.done $0x0  }
0x38: {  	[sflag:s16] =	ssyncadd.s32 $0xFFFFE000  }
0x39: {  	[spmem:s12] =	stream.linear.scatter [tilespmem:s18], [sflag:$0x9], $0x2000, $0x38;
	[tilespmem:$0x19000] =	vst v63  }
0x3a: {  	_ =	swait.ge [sflag:s16], $0x2000  }
0x3b: {  	[sflag:s16] =	ssyncset.done $0x0  }
0x3c: {  	[sflag:s16] =	ssyncadd.s32 $0xFFFFE000  }
0x3d: {  	s6 =	simm.s32 $0x0;
	[bflag:$0x0] =	sbarrier.arrive $0xFFFF  }
0x3e: {  	[tilespmem:s20], [sflag:$0x1] =	stream.indirect.gather [hbm4b:s1+s19], $0x40, s6, s19, $0xb8;
	[tilespmem:$0x19000] =	vst v63  }
0x3f: {  	_ = 	snop  }
0x40: {  	[tilespmem:s21], [sflag:$0x2] =	stream.indirect.gather [hbm4b:s1+s19], $0x40, s19, s19, $0xb8;
	[tilespmem:$0x19000] =	vst v63  }
0x41: {  	_ = 	snop  }
0x42: {  	[tilespmem:s23], [sflag:$0x3] =	stream.indirect.gather [hbm4b:s1+s19], $0x40, s24, s19, $0xb8;
	[tilespmem:$0x19000] =	vst v63  }
0x43: {  	s15 =	simm.s32 $0x180  }
0x44: {  	[tilespmem:s25], [sflag:$0x4] =	stream.indirect.gather [hbm4b:s1+s19], $0x40, s15, s19, $0xb8;
	[tilespmem:$0x19000] =	vst v63  }
0x45: {  	_ =	swait.ge [sflag:s26], $0x2000  }
0x46: {  	[sflag:s26] =	ssyncset.done $0x0  }
0x47: {  	s22 =	simm.s32 $0x2800;
	[sflag:s26] =	ssyncadd.s32 $0xFFFFE000  }
0x48: {  	[spmem:s3] =	stream.indirect.scatter.add.f32 [tilespmem:s20], [sflag:$0x5], $0x40, s22, s19, $0xb8;
	[tilespmem:$0x19000] =	vst v63  }
0x49: {  	_ =	swait.ge [sflag:s28], $0x2000  }
0x4a: {  	[sflag:s28] =	ssyncset.done $0x0  }
0x4b: {  	s6 =	simm.s32 $0x2880;
	[sflag:s28] =	ssyncadd.s32 $0xFFFFE000  }
0x4c: {  	[spmem:s3] =	stream.indirect.scatter.add.f32 [tilespmem:s21], [sflag:$0x6], $0x40, s6, s19, $0xb8;
	[tilespmem:$0x19000] =	vst v63  }
0x4d: {  	_ =	swait.ge [sflag:s29], $0x2000  }
0x4e: {  	[sflag:s29] =	ssyncset.done $0x0  }
0x4f: {  	s15 =	simm.s32 $0x2900;
	[sflag:s29] =	ssyncadd.s32 $0xFFFFE000  }
0x50: {  	[spmem:s3] =	stream.indirect.scatter.add.f32 [tilespmem:s23], [sflag:$0x7], $0x40, s15, s19, $0xb8;
	[tilespmem:$0x19000] =	vst v63  }
0x51: {  	_ =	swait.ge [sflag:s30], $0x2000  }
0x52: {  	[sflag:s30] =	ssyncset.done $0x0  }
0x53: {  	s22 =	simm.s32 $0x2980;
	[sflag:s30] =	ssyncadd.s32 $0xFFFFE000  }
0x54: {  	[spmem:s3] =	stream.indirect.scatter.add.f32 [tilespmem:s25], [sflag:$0x8], $0x40, s22, s19, $0xb8;
	[tilespmem:$0x19000] =	vst v63  }
0x55: {  	_ =	swait.ge [sflag:s31], $0x2000  }
0x56: {  	[sflag:s31] =	ssyncset.done $0x0  }
0x57: {  	s6 =	simm.s32 $0x200;
	[sflag:s31] =	ssyncadd.s32 $0xFFFFE000  }
0x58: {  	[tilespmem:s20], [sflag:$0x1] =	stream.indirect.gather [hbm4b:s1+s19], $0x40, s6, s19, $0xb8;
	[tilespmem:$0x19000] =	vst v63  }
0x59: {  	_ =	swait.ge [sflag:s0], $0x2000  }
0x5a: {  	[sflag:s0] =	ssyncset.done $0x0  }
0x5b: {  	s15 =	simm.s32 $0x280;
	[sflag:s0] =	ssyncadd.s32 $0xFFFFE000  }
0x5c: {  	[tilespmem:s21], [sflag:$0x2] =	stream.indirect.gather [hbm4b:s1+s19], $0x40, s15, s19, $0xb8;
	[tilespmem:$0x19000] =	vst v63  }
0x5d: {  	_ =	swait.ge [sflag:s17], $0x2000  }
0x5e: {  	[sflag:s17] =	ssyncset.done $0x0  }
0x5f: {  	s22 =	simm.s32 $0x300;
	[sflag:s17] =	ssyncadd.s32 $0xFFFFE000  }
0x60: {  	[tilespmem:s23], [sflag:$0x3] =	stream.indirect.gather [hbm4b:s1+s19], $0x40, s22, s19, $0xb8;
	[tilespmem:$0x19000] =	vst v63  }
0x61: {  	_ =	swait.ge [sflag:s2], $0x2000  }
0x62: {  	[sflag:s2] =	ssyncset.done $0x0  }
0x63: {  	s4 =	simm.s32 $0x380;
	s15 =	simm.s32 $0x800;
	[sflag:s2] =	ssyncadd.s32 $0xFFFFE000  }
.LBB2_4:
0x64: {  	[tilespmem:s25], [sflag:$0x4] =	stream.indirect.gather [hbm4b:s1+s19], $0x40, s4, s19, $0xb8;
	[tilespmem:$0x19000] =	vst v63  }
0x65: {  	s4 =	smov.u32 s15  }
0x66: {  	p0 =	sne.s32 s15, $0x9000;
	s15 =	sadd.s32 $0x800, s15;
	_ =	swait.ge [sflag:s26], $0x2000  }
0x67: {  	s22 =	sshra.s32 s4, $0x2;
	[sflag:s26] =	ssyncset.done $0x0  }
0x68: {  	s4 =	sadd.s32 $0x2800, s22;
	[sflag:s26] =	ssyncadd.s32 $0xFFFFE000  }
0x69: {  	[spmem:s3] =	stream.indirect.scatter.add.f32 [tilespmem:s20], [sflag:$0x5], $0x40, s4, s19, $0xb8;
	[tilespmem:$0x19000] =	vst v63  }
0x6a: {  	_ =	swait.ge [sflag:s28], $0x2000  }
0x6b: {  	[sflag:s28] =	ssyncset.done $0x0  }
0x6c: {  	s4 =	sadd.s32 $0x2880, s22;
	[sflag:s28] =	ssyncadd.s32 $0xFFFFE000  }
0x6d: {  	[spmem:s3] =	stream.indirect.scatter.add.f32 [tilespmem:s21], [sflag:$0x6], $0x40, s4, s19, $0xb8;
	[tilespmem:$0x19000] =	vst v63  }
0x6e: {  	_ =	swait.ge [sflag:s29], $0x2000  }
0x6f: {  	[sflag:s29] =	ssyncset.done $0x0  }
0x70: {  	s4 =	sadd.s32 $0x2900, s22;
	[sflag:s29] =	ssyncadd.s32 $0xFFFFE000  }
0x71: {  	[spmem:s3] =	stream.indirect.scatter.add.f32 [tilespmem:s23], [sflag:$0x7], $0x40, s4, s19, $0xb8;
	[tilespmem:$0x19000] =	vst v63  }
0x72: {  	_ =	swait.ge [sflag:s30], $0x2000  }
0x73: {  	[sflag:s30] =	ssyncset.done $0x0  }
0x74: {  	s4 =	sadd.s32 $0x2980, s22;
	[sflag:s30] =	ssyncadd.s32 $0xFFFFE000  }
0x75: {  	[spmem:s3] =	stream.indirect.scatter.add.f32 [tilespmem:s25], [sflag:$0x8], $0x40, s4, s19, $0xb8;
	[tilespmem:$0x19000] =	vst v63  }
0x76: {  	_ =	swait.ge [sflag:s31], $0x2000  }
0x77: {  	[sflag:s31] =	ssyncset.done $0x0  }
0x78: {  	s4 =	sadd.s32 $0x200, s22;
	[sflag:s31] =	ssyncadd.s32 $0xFFFFE000  }
0x79: {  	[tilespmem:s20], [sflag:$0x1] =	stream.indirect.gather [hbm4b:s1+s19], $0x40, s4, s19, $0xb8;
	[tilespmem:$0x19000] =	vst v63  }
0x7a: {  	_ =	swait.ge [sflag:s0], $0x2000  }
0x7b: {  	[sflag:s0] =	ssyncset.done $0x0  }
0x7c: {  	s4 =	sadd.s32 $0x280, s22;
	[sflag:s0] =	ssyncadd.s32 $0xFFFFE000  }
0x7d: {  	[tilespmem:s21], [sflag:$0x2] =	stream.indirect.gather [hbm4b:s1+s19], $0x40, s4, s19, $0xb8;
	[tilespmem:$0x19000] =	vst v63  }
0x7e: {  	_ =	swait.ge [sflag:s17], $0x2000  }
0x7f: {  	[sflag:s17] =	ssyncset.done $0x0  }
.Ltmp1:
0x80: {  	s4 =	sadd.s32 $0x300, s22;
	[sflag:s17] =	ssyncadd.s32 $0xFFFFE000;
	(pc) =	sbr.rel @p0 .LBB2_4-.Ltmp1, $4  }
0x81: {  	[tilespmem:s23], [sflag:$0x3] =	stream.indirect.gather [hbm4b:s1+s19], $0x40, s4, s19, $0xb8;
	[tilespmem:$0x19000] =	vst v63  }
0x82: {  	_ =	swait.ge [sflag:s2], $0x2000  }
0x83: {  	[sflag:s2] =	ssyncset.done $0x0  }
0x84: {  	s4 =	sadd.s32 $0x380, s22;
	[sflag:s2] =	ssyncadd.s32 $0xFFFFE000  }
0x85: {  	[tilespmem:s25], [sflag:$0x4] =	stream.indirect.gather [hbm4b:s1+s19], $0x40, s4, s19, $0xb8;
	[tilespmem:$0x19000] =	vst v63  }
0x86: {  	_ =	swait.ge [sflag:s26], $0x2000  }
0x87: {  	[sflag:s26] =	ssyncset.done $0x0  }
0x88: {  	s6 =	simm.s32 $0x4E00;
	[sflag:s26] =	ssyncadd.s32 $0xFFFFE000  }
0x89: {  	[spmem:s3] =	stream.indirect.scatter.add.f32 [tilespmem:s20], [sflag:$0x5], $0x40, s6, s19, $0xb8;
	[tilespmem:$0x19000] =	vst v63  }
0x8a: {  	_ =	swait.ge [sflag:s28], $0x2000  }
0x8b: {  	[sflag:s28] =	ssyncset.done $0x0  }
0x8c: {  	s15 =	simm.s32 $0x4E80;
	[sflag:s28] =	ssyncadd.s32 $0xFFFFE000  }
0x8d: {  	[spmem:s3] =	stream.indirect.scatter.add.f32 [tilespmem:s21], [sflag:$0x6], $0x40, s15, s19, $0xb8;
	[tilespmem:$0x19000] =	vst v63  }
0x8e: {  	_ =	swait.ge [sflag:s29], $0x2000  }
0x8f: {  	[sflag:s29] =	ssyncset.done $0x0  }
0x90: {  	[sflag:s29] =	ssyncadd.s32 $0xFFFFE000  }
0x91: {  	[spmem:s3] =	stream.indirect.scatter.add.f32 [tilespmem:s23], [sflag:$0x7], $0x40, s7, s19, $0xb8;
	[tilespmem:$0x19000] =	vst v63  }
0x92: {  	_ =	swait.ge [sflag:s30], $0x2000  }
0x93: {  	[sflag:s30] =	ssyncset.done $0x0  }
0x94: {  	[sflag:s30] =	ssyncadd.s32 $0xFFFFE000  }
0x95: {  	[spmem:s3] =	stream.indirect.scatter.add.f32 [tilespmem:s25], [sflag:$0x8], $0x40, s13, s19, $0xb8;
	[tilespmem:$0x19000] =	vst v63  }
0x96: {  	_ =	swait.ge [sflag:s31], $0x2000  }
0x97: {  	[sflag:s31] =	ssyncset.done $0x0  }
0x98: {  	[sflag:s31] =	ssyncadd.s32 $0xFFFFE000  }
0x99: {  	_ =	swait.ge [sflag:s0], $0x2000  }
0x9a: {  	[sflag:s0] =	ssyncset.done $0x0  }
0x9b: {  	[sflag:s0] =	ssyncadd.s32 $0xFFFFE000  }
0x9c: {  	_ =	swait.ge [sflag:s17], $0x2000  }
0x9d: {  	[sflag:s17] =	ssyncset.done $0x0  }
0x9e: {  	[sflag:s17] =	ssyncadd.s32 $0xFFFFE000  }
0x9f: {  	_ =	swait.ge [sflag:s2], $0x2000  }
0xa0: {  	[sflag:s2] =	ssyncset.done $0x0  }
0xa1: {  	s22 =	stileid.u32;
	[sflag:s2] =	ssyncadd.s32 $0xFFFFE000  }
0xa2: {  	s4 =	sshll.u32 s22, $0x6;
	[bflag:$0x0] =	sbarrier.arrive $0xFFFF  }
0xa3: {  	s22 =	sshrl.u32 s8, $0x3;
	s15 =	sor.u32 $0x1C09, s4;
	s6 =	rddreg [dreg:$0x6]  }
0xa4: {  	[hbm:s6], [sflag:s15] =	dma.local [spmem:s22], $0x1400  }
0xa5: {  	_ =	swait.ge [sflag:s16], $0x1400  }
0xa6: {  	[sflag:s16] =	ssyncset.done $0x0  }
0xa7: {  	[sflag:s16] =	ssyncadd.s32 $0xFFFFEC00  }
0xa8: {  	[bflag:$0x0] =	sbarrier.arrive $0xFFFF  }
0xa9: {  	[spmem:s8] =	stream.linear.scatter [tilespmem:s18], [sflag:$0x9], $0x2000, $0x38;
	[tilespmem:$0x19000] =	vst v63  }
0xaa: {  	_ =	swait.ge [sflag:s16], $0x2000  }
0xab: {  	[sflag:s16] =	ssyncset.done $0x0  }
0xac: {  	[sflag:s16] =	ssyncadd.s32 $0xFFFFE000  }
0xad: {  	[spmem:s9] =	stream.linear.scatter [tilespmem:s18], [sflag:$0x9], $0x2000, $0x38;
	[tilespmem:$0x19000] =	vst v63  }
0xae: {  	_ =	swait.ge [sflag:s16], $0x2000  }
0xaf: {  	[sflag:s16] =	ssyncset.done $0x0  }
0xb0: {  	[sflag:s16] =	ssyncadd.s32 $0xFFFFE000  }
0xb1: {  	[spmem:s10] =	stream.linear.scatter [tilespmem:s18], [sflag:$0x9], $0x2000, $0x38;
	[tilespmem:$0x19000] =	vst v63  }
0xb2: {  	_ =	swait.ge [sflag:s16], $0x2000  }
0xb3: {  	[sflag:s16] =	ssyncset.done $0x0  }
0xb4: {  	[sflag:s16] =	ssyncadd.s32 $0xFFFFE000  }
0xb5: {  	[spmem:s11] =	stream.linear.scatter [tilespmem:s18], [sflag:$0x9], $0x2000, $0x38;
	[tilespmem:$0x19000] =	vst v63  }
0xb6: {  	_ =	swait.ge [sflag:s16], $0x2000  }
0xb7: {  	[sflag:s16] =	ssyncset.done $0x0  }
0xb8: {  	[sflag:s16] =	ssyncadd.s32 $0xFFFFE000  }
0xb9: {  	[spmem:s12] =	stream.linear.scatter [tilespmem:s18], [sflag:$0x9], $0x2000, $0x38;
	[tilespmem:$0x19000] =	vst v63  }
0xba: {  	_ =	swait.ge [sflag:s16], $0x2000  }
0xbb: {  	[sflag:s16] =	ssyncset.done $0x0  }
0xbc: {  	[sflag:s16] =	ssyncadd.s32 $0xFFFFE000  }
0xbd: {  	s6 =	simm.s32 $0x0;
	[bflag:$0x0] =	sbarrier.arrive $0xFFFF  }
0xbe: {  	[tilespmem:s20], [sflag:$0x1] =	stream.indirect.gather [hbm4b:s5+s19], $0x40, s6, s19, $0xb8;
	[tilespmem:$0x19000] =	vst v63  }
0xbf: {  	_ = 	snop  }
0xc0: {  	[tilespmem:s21], [sflag:$0x2] =	stream.indirect.gather [hbm4b:s5+s19], $0x40, s19, s19, $0xb8;
	[tilespmem:$0x19000] =	vst v63  }
0xc1: {  	_ = 	snop  }
0xc2: {  	[tilespmem:s23], [sflag:$0x3] =	stream.indirect.gather [hbm4b:s5+s19], $0x40, s24, s19, $0xb8;
	[tilespmem:$0x19000] =	vst v63  }
0xc3: {  	s6 =	simm.s32 $0x180  }
0xc4: {  	[tilespmem:s25], [sflag:$0x4] =	stream.indirect.gather [hbm4b:s5+s19], $0x40, s6, s19, $0xb8;
	[tilespmem:$0x19000] =	vst v63  }
0xc5: {  	_ =	swait.ge [sflag:s26], $0x2000  }
0xc6: {  	[sflag:s26] =	ssyncset.done $0x0  }
0xc7: {  	s24 =	simm.s32 $0x2800;
	[sflag:s26] =	ssyncadd.s32 $0xFFFFE000  }
0xc8: {  	[spmem:s3] =	stream.indirect.scatter.add.f32 [tilespmem:s20], [sflag:$0x5], $0x40, s24, s19, $0xb8;
	[tilespmem:$0x19000] =	vst v63  }
0xc9: {  	_ =	swait.ge [sflag:s28], $0x2000  }
0xca: {  	[sflag:s28] =	ssyncset.done $0x0  }
0xcb: {  	s6 =	simm.s32 $0x2880;
	[sflag:s28] =	ssyncadd.s32 $0xFFFFE000  }
0xcc: {  	[spmem:s3] =	stream.indirect.scatter.add.f32 [tilespmem:s21], [sflag:$0x6], $0x40, s6, s19, $0xb8;
	[tilespmem:$0x19000] =	vst v63  }
0xcd: {  	_ =	swait.ge [sflag:s29], $0x2000  }
0xce: {  	[sflag:s29] =	ssyncset.done $0x0  }
0xcf: {  	s24 =	simm.s32 $0x2900;
	[sflag:s29] =	ssyncadd.s32 $0xFFFFE000  }
0xd0: {  	[spmem:s3] =	stream.indirect.scatter.add.f32 [tilespmem:s23], [sflag:$0x7], $0x40, s24, s19, $0xb8;
	[tilespmem:$0x19000] =	vst v63  }
0xd1: {  	_ =	swait.ge [sflag:s30], $0x2000  }
0xd2: {  	[sflag:s30] =	ssyncset.done $0x0  }
0xd3: {  	s6 =	simm.s32 $0x2980;
	[sflag:s30] =	ssyncadd.s32 $0xFFFFE000  }
0xd4: {  	[spmem:s3] =	stream.indirect.scatter.add.f32 [tilespmem:s25], [sflag:$0x8], $0x40, s6, s19, $0xb8;
	[tilespmem:$0x19000] =	vst v63  }
0xd5: {  	_ =	swait.ge [sflag:s31], $0x2000  }
0xd6: {  	[sflag:s31] =	ssyncset.done $0x0  }
0xd7: {  	s24 =	simm.s32 $0x200;
	[sflag:s31] =	ssyncadd.s32 $0xFFFFE000  }
0xd8: {  	[tilespmem:s20], [sflag:$0x1] =	stream.indirect.gather [hbm4b:s5+s19], $0x40, s24, s19, $0xb8;
	[tilespmem:$0x19000] =	vst v63  }
0xd9: {  	_ =	swait.ge [sflag:s0], $0x2000  }
0xda: {  	[sflag:s0] =	ssyncset.done $0x0  }
0xdb: {  	s6 =	simm.s32 $0x280;
	[sflag:s0] =	ssyncadd.s32 $0xFFFFE000  }
0xdc: {  	[tilespmem:s21], [sflag:$0x2] =	stream.indirect.gather [hbm4b:s5+s19], $0x40, s6, s19, $0xb8;
	[tilespmem:$0x19000] =	vst v63  }
0xdd: {  	_ =	swait.ge [sflag:s17], $0x2000  }
0xde: {  	[sflag:s17] =	ssyncset.done $0x0  }
0xdf: {  	s24 =	simm.s32 $0x300;
	[sflag:s17] =	ssyncadd.s32 $0xFFFFE000  }
0xe0: {  	[tilespmem:s23], [sflag:$0x3] =	stream.indirect.gather [hbm4b:s5+s19], $0x40, s24, s19, $0xb8;
	[tilespmem:$0x19000] =	vst v63  }
0xe1: {  	_ =	swait.ge [sflag:s2], $0x2000  }
0xe2: {  	[sflag:s2] =	ssyncset.done $0x0  }
0xe3: {  	s4 =	simm.s32 $0x380;
	s24 =	simm.s32 $0x800;
	[sflag:s2] =	ssyncadd.s32 $0xFFFFE000  }
.LBB2_6:
0xe4: {  	[tilespmem:s25], [sflag:$0x4] =	stream.indirect.gather [hbm4b:s5+s19], $0x40, s4, s19, $0xb8;
	[tilespmem:$0x19000] =	vst v63  }
0xe5: {  	s4 =	smov.u32 s24  }
0xe6: {  	p0 =	sne.s32 s24, $0x9000;
	s24 =	sadd.s32 $0x800, s24;
	_ =	swait.ge [sflag:s26], $0x2000  }
0xe7: {  	s4 =	sshra.s32 s4, $0x2;
	[sflag:s26] =	ssyncset.done $0x0  }
0xe8: {  	s6 =	sadd.s32 $0x2800, s4;
	[sflag:s26] =	ssyncadd.s32 $0xFFFFE000  }
0xe9: {  	[spmem:s3] =	stream.indirect.scatter.add.f32 [tilespmem:s20], [sflag:$0x5], $0x40, s6, s19, $0xb8;
	[tilespmem:$0x19000] =	vst v63  }
0xea: {  	_ =	swait.ge [sflag:s28], $0x2000  }
0xeb: {  	[sflag:s28] =	ssyncset.done $0x0  }
0xec: {  	s6 =	sadd.s32 $0x2880, s4;
	[sflag:s28] =	ssyncadd.s32 $0xFFFFE000  }
0xed: {  	[spmem:s3] =	stream.indirect.scatter.add.f32 [tilespmem:s21], [sflag:$0x6], $0x40, s6, s19, $0xb8;
	[tilespmem:$0x19000] =	vst v63  }
0xee: {  	_ =	swait.ge [sflag:s29], $0x2000  }
0xef: {  	[sflag:s29] =	ssyncset.done $0x0  }
0xf0: {  	s6 =	sadd.s32 $0x2900, s4;
	[sflag:s29] =	ssyncadd.s32 $0xFFFFE000  }
0xf1: {  	[spmem:s3] =	stream.indirect.scatter.add.f32 [tilespmem:s23], [sflag:$0x7], $0x40, s6, s19, $0xb8;
	[tilespmem:$0x19000] =	vst v63  }
0xf2: {  	_ =	swait.ge [sflag:s30], $0x2000  }
0xf3: {  	[sflag:s30] =	ssyncset.done $0x0  }
0xf4: {  	s6 =	sadd.s32 $0x2980, s4;
	[sflag:s30] =	ssyncadd.s32 $0xFFFFE000  }
0xf5: {  	[spmem:s3] =	stream.indirect.scatter.add.f32 [tilespmem:s25], [sflag:$0x8], $0x40, s6, s19, $0xb8;
	[tilespmem:$0x19000] =	vst v63  }
0xf6: {  	_ =	swait.ge [sflag:s31], $0x2000  }
0xf7: {  	[sflag:s31] =	ssyncset.done $0x0  }
0xf8: {  	s6 =	sadd.s32 $0x200, s4;
	[sflag:s31] =	ssyncadd.s32 $0xFFFFE000  }
0xf9: {  	[tilespmem:s20], [sflag:$0x1] =	stream.indirect.gather [hbm4b:s5+s19], $0x40, s6, s19, $0xb8;
	[tilespmem:$0x19000] =	vst v63  }
0xfa: {  	_ =	swait.ge [sflag:s0], $0x2000  }
0xfb: {  	[sflag:s0] =	ssyncset.done $0x0  }
0xfc: {  	s6 =	sadd.s32 $0x280, s4;
	[sflag:s0] =	ssyncadd.s32 $0xFFFFE000  }
0xfd: {  	[tilespmem:s21], [sflag:$0x2] =	stream.indirect.gather [hbm4b:s5+s19], $0x40, s6, s19, $0xb8;
	[tilespmem:$0x19000] =	vst v63  }
0xfe: {  	_ =	swait.ge [sflag:s17], $0x2000  }
0xff: {  	[sflag:s17] =	ssyncset.done $0x0  }
.Ltmp2:
0x100: {  	s6 =	sadd.s32 $0x300, s4;
	[sflag:s17] =	ssyncadd.s32 $0xFFFFE000;
	(pc) =	sbr.rel @p0 .LBB2_6-.Ltmp2, $4  }
0x101: {  	[tilespmem:s23], [sflag:$0x3] =	stream.indirect.gather [hbm4b:s5+s19], $0x40, s6, s19, $0xb8;
	[tilespmem:$0x19000] =	vst v63  }
0x102: {  	_ =	swait.ge [sflag:s2], $0x2000  }
0x103: {  	[sflag:s2] =	ssyncset.done $0x0  }
0x104: {  	s4 =	sadd.s32 $0x380, s4;
	[sflag:s2] =	ssyncadd.s32 $0xFFFFE000  }
0x105: {  	[tilespmem:s25], [sflag:$0x4] =	stream.indirect.gather [hbm4b:s5+s19], $0x40, s4, s19, $0xb8;
	[tilespmem:$0x19000] =	vst v63  }
0x106: {  	_ =	swait.ge [sflag:s26], $0x2000  }
0x107: {  	[sflag:s26] =	ssyncset.done $0x0  }
0x108: {  	s6 =	simm.s32 $0x4E00;
	[sflag:s26] =	ssyncadd.s32 $0xFFFFE000  }
0x109: {  	[spmem:s3] =	stream.indirect.scatter.add.f32 [tilespmem:s20], [sflag:$0x5], $0x40, s6, s19, $0xb8;
	[tilespmem:$0x19000] =	vst v63  }
0x10a: {  	_ =	swait.ge [sflag:s28], $0x2000  }
0x10b: {  	[sflag:s28] =	ssyncset.done $0x0  }
0x10c: {  	s24 =	simm.s32 $0x4E80;
	[sflag:s28] =	ssyncadd.s32 $0xFFFFE000  }
0x10d: {  	[spmem:s3] =	stream.indirect.scatter.add.f32 [tilespmem:s21], [sflag:$0x6], $0x40, s24, s19, $0xb8;
	[tilespmem:$0x19000] =	vst v63  }
0x10e: {  	_ =	swait.ge [sflag:s29], $0x2000  }
0x10f: {  	[sflag:s29] =	ssyncset.done $0x0  }
0x110: {  	[sflag:s29] =	ssyncadd.s32 $0xFFFFE000  }
0x111: {  	[spmem:s3] =	stream.indirect.scatter.add.f32 [tilespmem:s23], [sflag:$0x7], $0x40, s7, s19, $0xb8;
	[tilespmem:$0x19000] =	vst v63  }
0x112: {  	_ =	swait.ge [sflag:s30], $0x2000  }
0x113: {  	[sflag:s30] =	ssyncset.done $0x0  }
0x114: {  	[sflag:s30] =	ssyncadd.s32 $0xFFFFE000  }
0x115: {  	[spmem:s3] =	stream.indirect.scatter.add.f32 [tilespmem:s25], [sflag:$0x8], $0x40, s13, s19, $0xb8;
	[tilespmem:$0x19000] =	vst v63  }
0x116: {  	_ =	swait.ge [sflag:s31], $0x2000  }
0x117: {  	[sflag:s31] =	ssyncset.done $0x0  }
0x118: {  	[sflag:s31] =	ssyncadd.s32 $0xFFFFE000  }
0x119: {  	_ =	swait.ge [sflag:s0], $0x2000  }
0x11a: {  	[sflag:s0] =	ssyncset.done $0x0  }
0x11b: {  	[sflag:s0] =	ssyncadd.s32 $0xFFFFE000  }
0x11c: {  	_ =	swait.ge [sflag:s17], $0x2000  }
0x11d: {  	[sflag:s17] =	ssyncset.done $0x0  }
0x11e: {  	[sflag:s17] =	ssyncadd.s32 $0xFFFFE000  }
0x11f: {  	_ =	swait.ge [sflag:s2], $0x2000  }
0x120: {  	[sflag:s2] =	ssyncset.done $0x0  }
0x121: {  	[sflag:s2] =	ssyncadd.s32 $0xFFFFE000  }
0x122: {  	[bflag:$0x0] =	sbarrier.arrive $0xFFFF  }
0x123: {  	s6 =	rddreg [dreg:$0x7]  }
0x124: {  	[hbm:s6], [sflag:s15] =	dma.local [spmem:s22], $0x1400  }
0x125: {  	_ =	swait.ge [sflag:s16], $0x1400  }
0x126: {  	s14 =	sadd.s32 $0x1, s14;
	s24 =	rddreg [dreg:$0x8]  }
0x127: {  	p0 =	sne.s32 s14, s24  }
.Ltmp3:
0x128: {  	_ = 	snop;
	(pc) =	sbr.rel @p0 .LBB2_1-.Ltmp3, $4  }
0x129: {  	[sflag:s16] =	ssyncset.done $0x0  }
0x12a: {  	[sflag:s16] =	ssyncadd.s32 $0xFFFFEC00  }
0x12b: {  	[bflag:$0x0] =	sbarrier.arrive $0xFFFF  }
0x12c: {  	s24 =	simm.s32 $0x100  }
0x12d: {  	_ =	sfence.sel $0x180000  }
0x12e: {  	[bflag:$0x0] =	sbarrier.arrive $0xFFFF  }
0x12f: {  	_ =	strace $0x9000004A  }
0x130: {  	s0 =	stileid.u32;
	[bflag:$0x2] =	sbarrier.arrive $0xFFFF  }
0x131: {  	p0 =	sne.s32 s0, $0x0;
	s0 =	rddreg [dreg:$0x3]  }
0x132: {  	s0 =	sadd.s32 @!p0 $0x100000, s0  }
0x133: {  	[sflag:s0] =	ssyncadd.tile.s32 @!p0 $0x1;
	_ =	shalt  }
.Lfunc_end2:
_tile_overlayer_lowered:
.L_overlay_start_2:
0x134: {  	(tag) =	ssettag $0x2  }
0x135: {  	s0 =	rddreg [dreg:$0x0];
	s2 =	stileid.u32  }
0x136: {  	s1 =	rddreg [dreg:$0x1];
	p0 =	sne.s32 s2, $0x0  }
0x137: {  	s3 =	rddreg [dreg:$0x2];
	[bflag:$0x3] =	sbarrier.arrive $0xFFFF;
	s2 =	simm.s32 @!p0 $0x1C09  }
0x138: {  	[timem:s3], [sflag:s2] =	dma.local @!p0 [hbm:s0], s1  }
0x139: {  	s0 =	simm.s32 @!p0 $0x9  }
0x13a: {  	_ =	swait.ge @!p0 [sflag:s0], s1  }
0x13b: {  	s1 =	ssub.s32 @!p0 $0x0, s1;
	[sflag:s0] =	ssyncset.done @!p0 $0x0  }
0x13c: {  	[sflag:s0] =	ssyncadd.s32 @!p0 s1  }
0x13d: {  	[bflag:$0x3] =	sbarrier.arrive $0xFFFF  }
0x13e: {  	_ =	shalt  }

</sc_bundles>
